<compile_context>
chip_gen: v7x
topology: tpu7x:2x2x1
jax: 0.10.2.dev20260603
libtpu: 0.0.44.dev20260713+nightly
codegen_flags: <defaults>
</compile_context>

<pallas_src>
import functools
import jax
import jax.numpy as jnp
import numpy as np
from jax import lax
from jax.experimental import pallas as pl
from jax.experimental.pallas import tpu as pltpu
from jax.experimental.pallas import tpu_sc as plsc

SQC = 0.1
CC = 0.01
EPS = 1e-7
KN = 20
KP = 32
B = 8
N = 1024
BN = B * N


def _lrelu(x):
    return jnp.where(x >= 0, x, 0.2 * x)


def _artanh(x):
    x = jnp.clip(x, -1.0 + 1e-5, 1.0 - 1e-5)
    return 0.5 * (jnp.log1p(x) - jnp.log1p(-x))


def _rownorm(x2sum):
    return jnp.sqrt(jnp.maximum(x2sum, EPS * EPS))


def _bf(v):
    return v.astype(jnp.bfloat16)



def _p1a_body(xt_ref, xh_ref, xx_ref):
    xt = xt_ref[0]
    xx = ((xt[:, 0:1] * xt[:, 0:1] + xt[:, 1:2] * xt[:, 1:2])
          + xt[:, 2:3] * xt[:, 2:3])
    xx_ref[0] = xx
    n = _rownorm(xx)
    s = jnp.minimum(jnp.tanh(SQC * n), 0.999) / (SQC * n)
    xh8 = xt * s
    xh_ref[0] = jnp.concatenate([xh8, jnp.zeros_like(xh8)], axis=1)


def _p1a(xt8):
    return pl.pallas_call(
        _p1a_body,
        grid=(B,),
        in_specs=[pl.BlockSpec((1, N, 8), lambda b: (b, 0, 0))],
        out_specs=[
            pl.BlockSpec((1, N, 16), lambda b: (b, 0, 0)),
            pl.BlockSpec((1, N, 1), lambda b: (b, 0, 0)),
        ],
        out_shape=[
            jax.ShapeDtypeStruct((B, N, 16), jnp.float32),
            jax.ShapeDtypeStruct((B, N, 1), jnp.float32),
        ],
    )(xt8)



def _p1b_body(xt_ref, xr_ref, xx_ref, xxr_ref, pd_ref):
    xt = _bf(xt_ref[0]).astype(jnp.float32)
    xr = _bf(xr_ref[0]).astype(jnp.float32)
    g = xt[:, 0:1] * xr[0:1, :]
    g = g + xt[:, 1:2] * xr[1:2, :]
    g = g + xt[:, 2:3] * xr[2:3, :]
    inner = -2.0 * g
    pd_ref[0] = (-xx_ref[0] - inner) - xxr_ref[0]


def _p1b(xt8, xrow, xx, xxr):
    return pl.pallas_call(
        _p1b_body,
        grid=(B,),
        in_specs=[
            pl.BlockSpec((1, N, 8), lambda b: (b, 0, 0)),
            pl.BlockSpec((1, 8, N), lambda b: (b, 0, 0)),
            pl.BlockSpec((1, N, 1), lambda b: (b, 0, 0)),
            pl.BlockSpec((1, 1, N), lambda b: (b, 0, 0)),
        ],
        out_specs=pl.BlockSpec((1, N, N), lambda b: (b, 0, 0)),
        out_shape=jax.ShapeDtypeStruct((B, N, N), jnp.float32),
    )(xt8, xrow, xx, xxr)



def _pd_body(f_ref, xx_ref, xxr_ref, pd_ref):
    xb = _bf(f_ref[0])
    g = lax.dot_general(xb, xb, (((1,), (1,)), ((), ())),
                        preferred_element_type=jnp.float32)
    inner = -2.0 * g
    pd_ref[0] = (-xx_ref[0] - inner) - xxr_ref[0]


def _pd(f, xx, xxr):
    c = f.shape[-1]
    return pl.pallas_call(
        _pd_body,
        grid=(B,),
        in_specs=[
            pl.BlockSpec((1, N, c), lambda b: (b, 0, 0)),
            pl.BlockSpec((1, N, 1), lambda b: (b, 0, 0)),
            pl.BlockSpec((1, 1, N), lambda b: (b, 0, 0)),
        ],
        out_specs=pl.BlockSpec((1, N, N), lambda b: (b, 0, 0)),
        out_shape=jax.ShapeDtypeStruct((B, N, N), jnp.float32),
    )(f, xx, xxr)



def _p2_body(feat_ref, xh_ref, w1_ref, u_ref, st_ref, acc_ref):
    i = pl.program_id(0) * pl.num_programs(1) + pl.program_id(1)
    a = feat_ref[0, 0]
    r = xh_ref[0]

    x2 = jnp.sum(a * a, axis=1, keepdims=True)
    y2 = jnp.sum(r * r, axis=1, keepdims=True)
    xy = -jnp.sum(a * r, axis=1, keepdims=True)
    num = (1.0 + 2.0 * CC * xy + CC * y2) * a - (1.0 - CC * x2) * r
    den = 1.0 + 2.0 * CC * xy + CC * CC * x2 * y2
    ma = num / jnp.maximum(den, EPS)

    xn = _rownorm(jnp.sum(ma * ma, axis=1, keepdims=True) + y2)
    e6 = jnp.concatenate([ma[:, 0:3], r[:, 0:3], jnp.zeros((N, 2), jnp.float32)],
                         axis=1)
    mx = jnp.dot(_bf(e6), _bf(w1_ref[...]), preferred_element_type=jnp.float32)
    mxn = _rownorm(jnp.sum(mx * mx, axis=1, keepdims=True))
    arg = mxn / xn * _artanh(SQC * xn)
    th = jnp.minimum(jnp.tanh(arg), 0.999)
    hn = jnp.maximum(th / SQC, EPS)
    s_u = (_artanh(SQC * hn) / (SQC * hn)) * (th / (SQC * mxn))
    u = mx * s_u
    u_ref[0, 0] = u

    @pl.when(i == 0)
    def _init():
        acc_ref[...] = jnp.zeros_like(acc_ref)

    acc_ref[0:1, :] += jnp.sum(u, axis=0, keepdims=True)
    acc_ref[1:2, :] += jnp.sum(u * u, axis=0, keepdims=True)

    @pl.when(i == B * KN - 1)
    def _fin():
        st_ref[...] = acc_ref[...]


def _p2(feat, xh16, w1p):
    return pl.pallas_call(
        _p2_body,
        grid=(B, KN),
        in_specs=[
            pl.BlockSpec((1, 1, N, 16), lambda b, k: (b, k, 0, 0)),
            pl.BlockSpec((1, N, 16), lambda b, k: (b, 0, 0)),
            pl.BlockSpec((8, 64), lambda b, k: (0, 0)),
        ],
        out_specs=[
            pl.BlockSpec((1, 1, N, 64), lambda b, k: (b, k, 0, 0)),
            pl.BlockSpec((2, 64), lambda b, k: (0, 0)),
        ],
        out_shape=[
            jax.ShapeDtypeStruct((B, KN, N, 64), jnp.float32),
            jax.ShapeDtypeStruct((2, 64), jnp.float32),
        ],
        scratch_shapes=[pltpu.VMEM((2, 64), jnp.float32)],
    )(feat, xh16, w1p)



def _p3_body(u_ref, st_ref, x1_ref, xx_ref, m_ref):
    k = pl.program_id(1)
    cnt = float(B * N * KN)
    mean = st_ref[0:1, :] / cnt
    var = st_ref[1:2, :] / cnt - mean * mean
    inv = lax.rsqrt(var + 1e-5)

    @pl.when(k == 0)
    def _init():
        m_ref[...] = jnp.full_like(m_ref, -jnp.inf)

    u = u_ref[0, 0]
    uh = (u - mean) * inv
    nu = _rownorm(jnp.sum(uh * uh, axis=1, keepdims=True))
    s1 = jnp.minimum(jnp.tanh(SQC * nu), 0.999) / (SQC * nu)
    w = uh * s1
    nw = jnp.maximum(jnp.minimum(jnp.tanh(SQC * nu), 0.999) / SQC, EPS)
    s2 = _artanh(SQC * nw) / (SQC * nw)
    v = _lrelu(w * s2)
    nv = _rownorm(jnp.sum(v * v, axis=1, keepdims=True))
    s3 = jnp.minimum(jnp.tanh(SQC * nv), 0.999) / (SQC * nv)
    m_ref[...] = jnp.maximum(m_ref[...], v * s3)

    @pl.when(k == KN - 1)
    def _tail():
        x1m = m_ref[...]
        n1 = _rownorm(jnp.sum(x1m * x1m, axis=1, keepdims=True))
        x1 = _artanh(SQC * n1) * x1m / (SQC * n1)
        x1_ref[0] = x1
        xx_ref[0] = jnp.sum(x1 * x1, axis=1, keepdims=True)


def _p3(u, st):
    return pl.pallas_call(
        _p3_body,
        grid=(B, KN),
        in_specs=[
            pl.BlockSpec((1, 1, N, 64), lambda b, k: (b, k, 0, 0)),
            pl.BlockSpec((2, 64), lambda b, k: (0, 0)),
        ],
        out_specs=[
            pl.BlockSpec((1, N, 64), lambda b, k: (b, 0, 0)),
            pl.BlockSpec((1, N, 1), lambda b, k: (b, 0, 0)),
        ],
        out_shape=[
            jax.ShapeDtypeStruct((B, N, 64), jnp.float32),
            jax.ShapeDtypeStruct((B, N, 1), jnp.float32),
        ],
        scratch_shapes=[pltpu.VMEM((N, 64), jnp.float32)],
    )(u, st)



def _c1_body(feat_ref, x_ref, wl_ref, wr_ref, hm_ref, st_ref,
             m_ref, acc_ref):
    b = pl.program_id(0)
    k = pl.program_id(1)
    xc = x_ref[0]
    d = feat_ref[0, 0] - xc
    h = (jnp.dot(_bf(d), _bf(wl_ref[...]), preferred_element_type=jnp.float32)
         + jnp.dot(_bf(xc), _bf(wr_ref[...]), preferred_element_type=jnp.float32))

    i = b * pl.num_programs(1) + k

    @pl.when(i == 0)
    def _init0():
        acc_ref[...] = jnp.zeros_like(acc_ref)

    @pl.when(k == 0)
    def _initb():
        m_ref[...] = jnp.full_like(m_ref, -jnp.inf)

    acc_ref[0:1, :] += jnp.sum(h, axis=0, keepdims=True)
    acc_ref[1:2, :] += jnp.sum(h * h, axis=0, keepdims=True)
    m_ref[...] = jnp.maximum(m_ref[...], h)

    @pl.when(k == KN - 1)
    def _wr():
        hm_ref[0] = m_ref[...]

    @pl.when(i == B * KN - 1)
    def _fin():
        cnt = float(B * N * KN)
        mean = acc_ref[0:1, :] / cnt
        var = acc_ref[1:2, :] / cnt - mean * mean
        st_ref[0:1, :] = mean
        st_ref[1:2, :] = lax.rsqrt(var + 1e-5)


def _c1(feat, xs, wl, wr):
    c = xs.shape[-1]
    o = wl.shape[1]
    return pl.pallas_call(
        _c1_body,
        grid=(B, KN),
        in_specs=[
            pl.BlockSpec((1, 1, N, c), lambda b, k: (b, k, 0, 0)),
            pl.BlockSpec((1, N, c), lambda b, k: (b, 0, 0)),
            pl.BlockSpec((c, o), lambda b, k: (0, 0)),
            pl.BlockSpec((c, o), lambda b, k: (0, 0)),
        ],
        out_specs=[
            pl.BlockSpec((1, N, o), lambda b, k: (b, 0, 0)),
            pl.BlockSpec((2, o), lambda b, k: (0, 0)),
        ],
        out_shape=[
            jax.ShapeDtypeStruct((B, N, o), jnp.float32),
            jax.ShapeDtypeStruct((2, o), jnp.float32),
        ],
        scratch_shapes=[pltpu.VMEM((N, o), jnp.float32),
                        pltpu.VMEM((2, o), jnp.float32)],
    )(feat, xs, wl, wr)



def _c2_body(hm_ref, st_ref, xs_ref, xx_ref):
    xs = _lrelu((hm_ref[0] - st_ref[0:1, :]) * st_ref[1:2, :])
    xs_ref[0] = xs
    xx_ref[0] = jnp.sum(xs * xs, axis=1, keepdims=True)


def _c2(hm, st):
    o = hm.shape[-1]
    return pl.pallas_call(
        _c2_body,
        grid=(B,),
        in_specs=[
            pl.BlockSpec((1, N, o), lambda b: (b, 0, 0)),
            pl.BlockSpec((2, o), lambda b: (0, 0)),
        ],
        out_specs=[
            pl.BlockSpec((1, N, o), lambda b: (b, 0, 0)),
            pl.BlockSpec((1, N, 1), lambda b: (b, 0, 0)),
        ],
        out_shape=[
            jax.ShapeDtypeStruct((B, N, o), jnp.float32),
            jax.ShapeDtypeStruct((B, N, 1), jnp.float32),
        ],
    )(hm, st)



def _p6_body(hm_ref, st_ref, x1_in, x2_in, x3_in, w5_ref,
             out_ref, facc_ref, hmx_ref):
    b = pl.program_id(0)
    x4 = _lrelu((hm_ref[0] - st_ref[0:1, :]) * st_ref[1:2, :])
    cat = jnp.concatenate([x1_in[0], x2_in[0], x3_in[0], x4], axis=1)
    h = jnp.dot(_bf(cat), _bf(w5_ref[...]), preferred_element_type=jnp.float32)

    @pl.when(b == 0)
    def _init():
        facc_ref[...] = jnp.zeros_like(facc_ref)

    facc_ref[0:1, :] += jnp.sum(h, axis=0, keepdims=True)
    facc_ref[1:2, :] += jnp.sum(h * h, axis=0, keepdims=True)
    hmx_ref[b, :] = jnp.max(h, axis=0)

    @pl.when(b == B - 1)
    def _fin():
        cnt = float(B * N)
        fmean = facc_ref[0:1, :] / cnt
        fvar = facc_ref[1:2, :] / cnt - fmean * fmean
        finv = lax.rsqrt(fvar + 1e-5)
        out_ref[...] = _lrelu((hmx_ref[...] - fmean) * finv)


def _p6(hm, st, x1, x2, x3, w5t):
    o = hm.shape[-1]
    bmap = lambda i: (i, 0, 0)
    cmap = lambda i: (0, 0)
    return pl.pallas_call(
        _p6_body,
        grid=(B,),
        in_specs=[
            pl.BlockSpec((1, N, o), bmap),
            pl.BlockSpec((2, o), cmap),
            pl.BlockSpec((1, N, 64), bmap),
            pl.BlockSpec((1, N, 64), bmap),
            pl.BlockSpec((1, N, 128), bmap),
            pl.BlockSpec((512, 1024), cmap),
        ],
        out_specs=pl.BlockSpec((B, 1024), lambda i: (0, 0)),
        out_shape=jax.ShapeDtypeStruct((B, 1024), jnp.float32),
        scratch_shapes=[
            pltpu.VMEM((2, 1024), jnp.float32),
            pltpu.VMEM((B, 1024), jnp.float32),
        ],
    )(hm, st, x1, x2, x3, w5t)



def _topk_gidx_jax(pd):
    _, idx = lax.top_k(pd, KN)
    gidx = idx + (jnp.arange(B, dtype=jnp.int32) * N)[:, None, None]
    pad = jnp.zeros((B, N, KP - KN), jnp.int32)
    return jnp.concatenate([gidx.astype(jnp.int32), pad], axis=-1).reshape(BN, KP)


def _gather_rows_jax(tbl, gidx):
    c = tbl.shape[-1]
    g = tbl.reshape(BN, c)[gidx[:, :KN]]
    return jnp.transpose(g.reshape(B, N, KN, c), (0, 2, 1, 3))


_topk_gidx = _topk_gidx_jax
_gather_rows = _gather_rows_jax



def kernel(x, W1, W2, W3, W4, W5):
    f32 = jnp.float32
    xt = jnp.transpose(x, (0, 2, 1)).astype(f32)
    xt8 = jnp.concatenate([xt, jnp.zeros((B, N, 5), f32)], axis=-1)
    xrow = jnp.concatenate([x.astype(f32), jnp.zeros((B, 5, N), f32)], axis=1)

    w1p = jnp.zeros((8, 64), f32).at[0:6, :].set(W1.T)

    def _split(W):
        o2 = W.shape[1] // 2
        return W[:, :o2].T.astype(f32), W[:, o2:].T.astype(f32)

    w2l, w2r = _split(W2)
    w3l, w3r = _split(W3)
    w4l, w4r = _split(W4)

    xh16, xx1 = _p1a(xt8)
    pd1 = _p1b(xt8, xrow, xx1, xx1.reshape(B, 1, N))
    gidx1 = _topk_gidx(pd1)
    feat1 = _gather_rows(xh16, gidx1)
    u, st1 = _p2(feat1, xh16, w1p)
    x1, xx2 = _p3(u, st1)

    pd2 = _pd(x1, xx2, xx2.reshape(B, 1, N))
    gidx2 = _topk_gidx(pd2)
    feat2 = _gather_rows(x1, gidx2)
    hm2, st2 = _c1(feat2, x1, w2l, w2r)
    x2, xx3 = _c2(hm2, st2)

    pd3 = _pd(x2, xx3, xx3.reshape(B, 1, N))
    gidx3 = _topk_gidx(pd3)
    feat3 = _gather_rows(x2, gidx3)
    hm3, st3 = _c1(feat3, x2, w3l, w3r)
    x3, xx4 = _c2(hm3, st3)

    pd4 = _pd(x3, xx4, xx4.reshape(B, 1, N))
    gidx4 = _topk_gidx(pd4)
    feat4 = _gather_rows(x3, gidx4)
    hm4, st4 = _c1(feat4, x3, w4l, w4r)
    out = _p6(hm4, st4, x1, x2, x3, W5.T.astype(f32))
    return out

# --- scband reference (transcript-rebuilt; emitter-appended) ---
"""Pipeline reference for scband-hyper-dgcnn-72353019068519 (READ-ONLY COPY).

The authoritative reference and input builder live on the scoring server;
editing this copy changes nothing except your own understanding.
"""

import jax, jax.numpy as jnp
import numpy as np

C_CURV = 0.01
SQC = float(np.sqrt(C_CURV))
EPS = 1e-7
K_NEIGH = 20

def _norm(x):
    return jnp.sqrt(jnp.maximum(jnp.sum(x * x, axis=-1, keepdims=True), EPS * EPS))

def artanh(x):
    x = jnp.clip(x, -1.0 + 1e-5, 1.0 - 1e-5)
    return 0.5 * (jnp.log1p(x) - jnp.log1p(-x))

def project(x):
    n = _norm(x)
    maxn = (1.0 - 1e-3) / SQC
    return jnp.where(n > maxn, x / n * maxn, x)

def expmap0(u):
    n = _norm(u)
    return project(jnp.tanh(SQC * n) * u / (SQC * n))

def logmap0(y):
    n = _norm(y)
    return artanh(SQC * n) * y / (SQC * n)

def mobius_add(x, y):
    c = C_CURV
    x2 = jnp.sum(x * x, -1, keepdims=True)
    y2 = jnp.sum(y * y, -1, keepdims=True)
    xy = jnp.sum(x * y, -1, keepdims=True)
    num = (1.0 + 2.0 * c * xy + c * y2) * x + (1.0 - c * x2) * y
    den = 1.0 + 2.0 * c * xy + c * c * x2 * y2
    return num / jnp.maximum(den, EPS)

def mobius_matvec(W, x):
    xn = _norm(x)
    mx = x @ W.T
    mxn = _norm(mx)
    res = jnp.tanh(mxn / xn * artanh(SQC * xn)) * mx / (mxn * SQC)
    return project(res)

def knn(x, k):
    inner = -2.0 * jnp.einsum('bcn,bcm->bnm', x, x)
    xx = jnp.sum(x * x, axis=1)
    pd = -xx[:, :, None] - inner - xx[:, None, :]
    _, idx = jax.lax.top_k(pd, k)
    return idx

def gather_feat(x_bnc, idx):
    B, N, C = x_bnc.shape
    flat = x_bnc.reshape(B * N, C)
    base = jnp.arange(B)[:, None, None] * N
    fi = (idx + base).reshape(-1)
    return flat[fi].reshape(B, N, idx.shape[2], C)

def get_graph_feature(x, k):
    idx = knn(x, k)
    xt = jnp.transpose(x, (0, 2, 1))
    feat = gather_feat(xt, idx)
    xr = jnp.broadcast_to(xt[:, :, None, :], feat.shape)
    out = jnp.concatenate([feat - xr, xr], axis=3)
    return jnp.transpose(out, (0, 3, 1, 2))

def get_hyper_graph_feature(x, k):
    idx = knn(x, k)
    xt = jnp.transpose(x, (0, 2, 1))
    xh = expmap0(xt)
    feat = gather_feat(xh, idx)
    xr = jnp.broadcast_to(xh[:, :, None, :], feat.shape)
    out = jnp.concatenate([mobius_add(feat, -xr), xr], axis=3)
    return jnp.transpose(out, (0, 3, 1, 2))

def tangent_bn(xh, axes):
    u = logmap0(xh)
    mean = jnp.mean(u, axis=axes, keepdims=True)
    var = jnp.var(u, axis=axes, keepdims=True)
    return expmap0((u - mean) / jnp.sqrt(var + 1e-5))

def radial_act(xh):
    return expmap0(jax.nn.leaky_relu(logmap0(xh), 0.2))

def eu_bn(h, axes):
    mean = jnp.mean(h, axis=axes, keepdims=True)
    var = jnp.var(h, axis=axes, keepdims=True)
    return (h - mean) / jnp.sqrt(var + 1e-5)

def setup_inputs(seed: int = 0):
    key = jax.random.key(seed)
    ks = jax.random.split(key, 6)
    x = jax.random.normal(ks[0], (8, 3, 1024), dtype=jnp.float32)
    W1 = jax.random.normal(ks[1], (64, 6), dtype=jnp.float32) * 0.2
    W2 = jax.random.normal(ks[2], (64, 128), dtype=jnp.float32) * (1.0 / np.sqrt(128))
    W3 = jax.random.normal(ks[3], (128, 128), dtype=jnp.float32) * (1.0 / np.sqrt(128))
    W4 = jax.random.normal(ks[4], (256, 256), dtype=jnp.float32) * (1.0 / np.sqrt(256))
    W5 = jax.random.normal(ks[5], (1024, 512), dtype=jnp.float32) * (1.0 / np.sqrt(512))
    return {"x": x, "W1": W1, "W2": W2, "W3": W3, "W4": W4, "W5": W5}

def reference(x, W1, W2, W3, W4, W5):
    k = K_NEIGH
    f = get_hyper_graph_feature(x, k)
    h = jnp.transpose(f, (0, 2, 3, 1))
    h = mobius_matvec(W1, h)
    h = tangent_bn(h, (0, 1, 2))
    h = radial_act(h)
    h = jnp.transpose(h, (0, 3, 1, 2))
    x1 = jnp.max(h, axis=-1)
    x1 = jnp.transpose(logmap0(jnp.transpose(x1, (0, 2, 1))), (0, 2, 1))
    f = get_graph_feature(x1, k)
    h = jax.nn.leaky_relu(eu_bn(jnp.einsum('bcnk,oc->bonk', f, W2), (0, 2, 3)), 0.2)
    x2 = jnp.max(h, axis=-1)
    f = get_graph_feature(x2, k)
    h = jax.nn.leaky_relu(eu_bn(jnp.einsum('bcnk,oc->bonk', f, W3), (0, 2, 3)), 0.2)
    x3 = jnp.max(h, axis=-1)
    f = get_graph_feature(x3, k)
    h = jax.nn.leaky_relu(eu_bn(jnp.einsum('bcnk,oc->bonk', f, W4), (0, 2, 3)), 0.2)
    x4 = jnp.max(h, axis=-1)
    cat = jnp.concatenate([x1, x2, x3, x4], axis=1)
    h = jax.nn.leaky_relu(eu_bn(jnp.einsum('bcn,oc->bon', cat, W5), (0, 2)), 0.2)
    return jnp.max(h, axis=-1)

if __name__ == "__main__":
    import jax
    _d = setup_inputs()
    print(jax.jit(kernel)(*tuple(_d.values())))

</pallas_src>

<mosaic_0001>
module attributes {stable_mosaic.version = 14 : i64} {
  func.func @_p1a_body(%arg0: i32, %arg1: memref<1x1024x8xf32, #tpu.memory_space<vmem>>, %arg2: memref<1x1024x16xf32, #tpu.memory_space<vmem>>, %arg3: memref<1x1024x1xf32, #tpu.memory_space<vmem>>) attributes {dimension_semantics = [#tpu.dimension_semantics<arbitrary>], iteration_bounds = array<i64: 8>, scalar_prefetch = 0 : i64, scratch_operands = 0 : i64, tpu.core_type = #tpu.core_type<tc>, window_params = [{transform_indices = @transform_0, window_bounds = array<i64: 1, 1024, 8>}, {transform_indices = @transform_1, window_bounds = array<i64: 1, 1024, 16>}, {transform_indices = @transform_2, window_bounds = array<i64: 1, 1024, 1>}]} {
    %get3A = arith.constant 0 : index
    %get3A_0 = arith.constant 0 : index
    %get3A_1 = arith.constant 0 : index
    %get3A_2 = vector.load %arg1[%get3A, %get3A_0, %get3A_1] : memref<1x1024x8xf32, #tpu.memory_space<vmem>>, vector<1x1024x8xf32>
    %get3A_3 = vector.shape_cast %get3A_2 : vector<1x1024x8xf32> to vector<1024x8xf32>
    %slice3A = vector.extract_strided_slice %get3A_3 {offsets = [0, 0], sizes = [1024, 1], strides = [1, 1]} : vector<1024x8xf32> to vector<1024x1xf32>
    %slice3A_4 = vector.extract_strided_slice %get3A_3 {offsets = [0, 0], sizes = [1024, 1], strides = [1, 1]} : vector<1024x8xf32> to vector<1024x1xf32>
    %mul3A = arith.mulf %slice3A, %slice3A_4 : vector<1024x1xf32>
    %slice3A_5 = vector.extract_strided_slice %get3A_3 {offsets = [0, 1], sizes = [1024, 1], strides = [1, 1]} : vector<1024x8xf32> to vector<1024x1xf32>
    %slice3A_6 = vector.extract_strided_slice %get3A_3 {offsets = [0, 1], sizes = [1024, 1], strides = [1, 1]} : vector<1024x8xf32> to vector<1024x1xf32>
    %mul3A_7 = arith.mulf %slice3A_5, %slice3A_6 : vector<1024x1xf32>
    %add3A = arith.addf %mul3A, %mul3A_7 : vector<1024x1xf32>
    %slice3A_8 = vector.extract_strided_slice %get3A_3 {offsets = [0, 2], sizes = [1024, 1], strides = [1, 1]} : vector<1024x8xf32> to vector<1024x1xf32>
    %slice3A_9 = vector.extract_strided_slice %get3A_3 {offsets = [0, 2], sizes = [1024, 1], strides = [1, 1]} : vector<1024x8xf32> to vector<1024x1xf32>
    %mul3A_10 = arith.mulf %slice3A_8, %slice3A_9 : vector<1024x1xf32>
    %add3A_11 = arith.addf %add3A, %mul3A_10 : vector<1024x1xf32>
    %swap3A = arith.constant 0 : index
    %swap3A_12 = arith.constant 0 : index
    %swap3A_13 = arith.constant 0 : index
    %swap3A_14 = vector.load %arg3[%swap3A, %swap3A_12, %swap3A_13] : memref<1x1024x1xf32, #tpu.memory_space<vmem>>, vector<1x1024x1xf32>
    %swap3A_15 = vector.shape_cast %swap3A_14 : vector<1x1024x1xf32> to vector<1024x1xf32>
    %swap3A_16 = vector.shape_cast %add3A_11 : vector<1024x1xf32> to vector<1x1024x1xf32>
    tpu.vector_store %arg3[%swap3A, %swap3A_12, %swap3A_13], %swap3A_16 {strides = array<i32>} : memref<1x1024x1xf32, #tpu.memory_space<vmem>>, vector<1x1024x1xf32>,
    %max3A = arith.constant 9.99999982E-15 : f32
    %max3A_17 = vector.broadcast %max3A : f32 to vector<1024x1xf32>
    %max3A_18 = arith.maximumf %add3A_11, %max3A_17 : vector<1024x1xf32>
    %sqrt3A = math.sqrt %max3A_18 : vector<1024x1xf32>
    %mul3A_19 = arith.constant 1.000000e-01 : f32
    %mul3A_20 = vector.broadcast %mul3A_19 : f32 to vector<1024x1xf32>
    %mul3A_21 = arith.mulf %mul3A_20, %sqrt3A : vector<1024x1xf32>
    %tanh3A = math.tanh %mul3A_21 : vector<1024x1xf32>
    %min3A = arith.constant 9.990000e-01 : f32
    %min3A_22 = vector.broadcast %min3A : f32 to vector<1024x1xf32>
    %min3A_23 = arith.minimumf %tanh3A, %min3A_22 : vector<1024x1xf32>
    %mul3A_24 = arith.constant 1.000000e-01 : f32
    %mul3A_25 = vector.broadcast %mul3A_24 : f32 to vector<1024x1xf32>
    %mul3A_26 = arith.mulf %mul3A_25, %sqrt3A : vector<1024x1xf32>
    %div3A = arith.divf %min3A_23, %mul3A_26 : vector<1024x1xf32>
    %mul3A_27 = vector.broadcast %div3A : vector<1024x1xf32> to vector<1024x8xf32>
    %mul3A_28 = arith.mulf %get3A_3, %mul3A_27 : vector<1024x8xf32>
    %broadcast_in_dim3A = arith.constant 0.000000e+00 : f32
    %broadcast_in_dim3A_29 = vector.broadcast %broadcast_in_dim3A : f32 to vector<1024x8xf32>
    %concatenate3A = tpu.concatenate %mul3A_28, %broadcast_in_dim3A_29 in 1 : vector<1024x8xf32>, vector<1024x8xf32> -> vector<1024x16xf32>
    %swap3A_30 = arith.constant 0 : index
    %swap3A_31 = arith.constant 0 : index
    %swap3A_32 = arith.constant 0 : index
    %swap3A_33 = vector.load %arg2[%swap3A_30, %swap3A_31, %swap3A_32] : memref<1x1024x16xf32, #tpu.memory_space<vmem>>, vector<1x1024x16xf32>
    %swap3A_34 = vector.shape_cast %swap3A_33 : vector<1x1024x16xf32> to vector<1024x16xf32>
    %swap3A_35 = vector.shape_cast %concatenate3A : vector<1024x16xf32> to vector<1x1024x16xf32>
    tpu.vector_store %arg2[%swap3A_30, %swap3A_31, %swap3A_32], %swap3A_35 {strides = array<i32>} : memref<1x1024x16xf32, #tpu.memory_space<vmem>>, vector<1x1024x16xf32>,
    return
  }
  func.func @transform_0(%arg0: i32) -> (i32, i32, i32) {
    %c0_i32 = arith.constant 0 : i32
    %c0_i32_0 = arith.constant 0 : i32
    %c0_i32_1 = arith.constant 0 : i32
    return %arg0, %c0_i32, %c0_i32_0 : i32, i32, i32
  }
  func.func @transform_1(%arg0: i32) -> (i32, i32, i32) {
    %c0_i32 = arith.constant 0 : i32
    %c0_i32_0 = arith.constant 0 : i32
    %c0_i32_1 = arith.constant 0 : i32
    return %arg0, %c0_i32, %c0_i32_0 : i32, i32, i32
  }
  func.func @transform_2(%arg0: i32) -> (i32, i32, i32) {
    %c0_i32 = arith.constant 0 : i32
    %c0_i32_0 = arith.constant 0 : i32
    %c0_i32_1 = arith.constant 0 : i32
    return %arg0, %c0_i32, %c0_i32_0 : i32, i32, i32
  }
}

module attributes {stable_mosaic.version = 14 : i64} {
  func.func @_p1b_body(%arg0: i32, %arg1: memref<1x1024x8xf32, #tpu.memory_space<vmem>>, %arg2: memref<1x8x1024xf32, #tpu.memory_space<vmem>>, %arg3: memref<1x1024x1xf32, #tpu.memory_space<vmem>>, %arg4: memref<1x1x1024xf32, #tpu.memory_space<vmem>>, %arg5: memref<1x1024x1024xf32, #tpu.memory_space<vmem>>) attributes {dimension_semantics = [#tpu.dimension_semantics<arbitrary>], iteration_bounds = array<i64: 8>, scalar_prefetch = 0 : i64, scratch_operands = 0 : i64, tpu.core_type = #tpu.core_type<tc>, window_params = [{transform_indices = @transform_0, window_bounds = array<i64: 1, 1024, 8>}, {transform_indices = @transform_1, window_bounds = array<i64: 1, 8, 1024>}, {transform_indices = @transform_2, window_bounds = array<i64: 1, 1024, 1>}, {transform_indices = @transform_3, window_bounds = array<i64: 1, 1, 1024>}, {transform_indices = @transform_4, window_bounds = array<i64: 1, 1024, 1024>}]} {
    %get3A = arith.constant 0 : index
    %get3A_0 = arith.constant 0 : index
    %get3A_1 = arith.constant 0 : index
    %get3A_2 = vector.load %arg1[%get3A, %get3A_0, %get3A_1] : memref<1x1024x8xf32, #tpu.memory_space<vmem>>, vector<1x1024x8xf32>
    %get3A_3 = vector.shape_cast %get3A_2 : vector<1x1024x8xf32> to vector<1024x8xf32>
    %convert_element_type3A = arith.truncf %get3A_3 : vector<1024x8xf32> to vector<1024x8xbf16>
    %convert_element_type3A_4 = arith.extf %convert_element_type3A : vector<1024x8xbf16> to vector<1024x8xf32>
    %get3A_5 = arith.constant 0 : index
    %get3A_6 = arith.constant 0 : index
    %get3A_7 = arith.constant 0 : index
    %get3A_8 = vector.load %arg2[%get3A_5, %get3A_6, %get3A_7] : memref<1x8x1024xf32, #tpu.memory_space<vmem>>, vector<1x8x1024xf32>
    %get3A_9 = vector.shape_cast %get3A_8 : vector<1x8x1024xf32> to vector<8x1024xf32>
    %convert_element_type3A_10 = arith.truncf %get3A_9 : vector<8x1024xf32> to vector<8x1024xbf16>
    %convert_element_type3A_11 = arith.extf %convert_element_type3A_10 : vector<8x1024xbf16> to vector<8x1024xf32>
    %slice3A = vector.extract_strided_slice %convert_element_type3A_4 {offsets = [0, 0], sizes = [1024, 1], strides = [1, 1]} : vector<1024x8xf32> to vector<1024x1xf32>
    %slice3A_12 = vector.extract_strided_slice %convert_element_type3A_11 {offsets = [0, 0], sizes = [1, 1024], strides = [1, 1]} : vector<8x1024xf32> to vector<1x1024xf32>
    %mul3A = vector.broadcast %slice3A : vector<1024x1xf32> to vector<1024x1024xf32>
    %mul3A_13 = vector.broadcast %slice3A_12 : vector<1x1024xf32> to vector<1024x1024xf32>
    %mul3A_14 = arith.mulf %mul3A, %mul3A_13 : vector<1024x1024xf32>
    %slice3A_15 = vector.extract_strided_slice %convert_element_type3A_4 {offsets = [0, 1], sizes = [1024, 1], strides = [1, 1]} : vector<1024x8xf32> to vector<1024x1xf32>
    %slice3A_16 = vector.extract_strided_slice %convert_element_type3A_11 {offsets = [1, 0], sizes = [1, 1024], strides = [1, 1]} : vector<8x1024xf32> to vector<1x1024xf32>
    %mul3A_17 = vector.broadcast %slice3A_15 : vector<1024x1xf32> to vector<1024x1024xf32>
    %mul3A_18 = vector.broadcast %slice3A_16 : vector<1x1024xf32> to vector<1024x1024xf32>
    %mul3A_19 = arith.mulf %mul3A_17, %mul3A_18 : vector<1024x1024xf32>
    %add3A = arith.addf %mul3A_14, %mul3A_19 : vector<1024x1024xf32>
    %slice3A_20 = vector.extract_strided_slice %convert_element_type3A_4 {offsets = [0, 2], sizes = [1024, 1], strides = [1, 1]} : vector<1024x8xf32> to vector<1024x1xf32>
    %slice3A_21 = vector.extract_strided_slice %convert_element_type3A_11 {offsets = [2, 0], sizes = [1, 1024], strides = [1, 1]} : vector<8x1024xf32> to vector<1x1024xf32>
    %mul3A_22 = vector.broadcast %slice3A_20 : vector<1024x1xf32> to vector<1024x1024xf32>
    %mul3A_23 = vector.broadcast %slice3A_21 : vector<1x1024xf32> to vector<1024x1024xf32>
    %mul3A_24 = arith.mulf %mul3A_22, %mul3A_23 : vector<1024x1024xf32>
    %add3A_25 = arith.addf %add3A, %mul3A_24 : vector<1024x1024xf32>
    %mul3A_26 = arith.constant -2.000000e+00 : f32
    %mul3A_27 = vector.broadcast %mul3A_26 : f32 to vector<1024x1024xf32>
    %mul3A_28 = arith.mulf %mul3A_27, %add3A_25 : vector<1024x1024xf32>
    %get3A_29 = arith.constant 0 : index
    %get3A_30 = arith.constant 0 : index
    %get3A_31 = arith.constant 0 : index
    %get3A_32 = vector.load %arg3[%get3A_29, %get3A_30, %get3A_31] : memref<1x1024x1xf32, #tpu.memory_space<vmem>>, vector<1x1024x1xf32>
    %get3A_33 = vector.shape_cast %get3A_32 : vector<1x1024x1xf32> to vector<1024x1xf32>
    %neg3A = arith.constant 0.000000e+00 : f32
    %neg3A_34 = vector.broadcast %neg3A : f32 to vector<1024x1xf32>
    %neg3A_35 = arith.subf %neg3A_34, %get3A_33 : vector<1024x1xf32>
    %sub3A = vector.broadcast %neg3A_35 : vector<1024x1xf32> to vector<1024x1024xf32>
    %sub3A_36 = arith.subf %sub3A, %mul3A_28 : vector<1024x1024xf32>
    %get3A_37 = arith.constant 0 : index
    %get3A_38 = arith.constant 0 : index
    %get3A_39 = arith.constant 0 : index
    %get3A_40 = vector.load %arg4[%get3A_37, %get3A_38, %get3A_39] : memref<1x1x1024xf32, #tpu.memory_space<vmem>>, vector<1x1x1024xf32>
    %get3A_41 = vector.shape_cast %get3A_40 : vector<1x1x1024xf32> to vector<1x1024xf32>
    %sub3A_42 = vector.broadcast %get3A_41 : vector<1x1024xf32> to vector<1024x1024xf32>
    %sub3A_43 = arith.subf %sub3A_36, %sub3A_42 : vector<1024x1024xf32>
    %swap3A = arith.constant 0 : index
    %swap3A_44 = arith.constant 0 : index
    %swap3A_45 = arith.constant 0 : index
    %swap3A_46 = vector.load %arg5[%swap3A, %swap3A_44, %swap3A_45] : memref<1x1024x1024xf32, #tpu.memory_space<vmem>>, vector<1x1024x1024xf32>
    %swap3A_47 = vector.shape_cast %swap3A_46 : vector<1x1024x1024xf32> to vector<1024x1024xf32>
    %swap3A_48 = vector.shape_cast %sub3A_43 : vector<1024x1024xf32> to vector<1x1024x1024xf32>
    tpu.vector_store %arg5[%swap3A, %swap3A_44, %swap3A_45], %swap3A_48 {strides = array<i32>} : memref<1x1024x1024xf32, #tpu.memory_space<vmem>>, vector<1x1024x1024xf32>,
    return
  }
  func.func @transform_0(%arg0: i32) -> (i32, i32, i32) {
    %c0_i32 = arith.constant 0 : i32
    %c0_i32_0 = arith.constant 0 : i32
    %c0_i32_1 = arith.constant 0 : i32
    return %arg0, %c0_i32, %c0_i32_0 : i32, i32, i32
  }
  func.func @transform_1(%arg0: i32) -> (i32, i32, i32) {
    %c0_i32 = arith.constant 0 : i32
    %c0_i32_0 = arith.constant 0 : i32
    %c0_i32_1 = arith.constant 0 : i32
    return %arg0, %c0_i32, %c0_i32_0 : i32, i32, i32
  }
  func.func @transform_2(%arg0: i32) -> (i32, i32, i32) {
    %c0_i32 = arith.constant 0 : i32
    %c0_i32_0 = arith.constant 0 : i32
    %c0_i32_1 = arith.constant 0 : i32
    return %arg0, %c0_i32, %c0_i32_0 : i32, i32, i32
  }
  func.func @transform_3(%arg0: i32) -> (i32, i32, i32) {
    %c0_i32 = arith.constant 0 : i32
    %c0_i32_0 = arith.constant 0 : i32
    %c0_i32_1 = arith.constant 0 : i32
    return %arg0, %c0_i32, %c0_i32_0 : i32, i32, i32
  }
  func.func @transform_4(%arg0: i32) -> (i32, i32, i32) {
    %c0_i32 = arith.constant 0 : i32
    %c0_i32_0 = arith.constant 0 : i32
    %c0_i32_1 = arith.constant 0 : i32
    return %arg0, %c0_i32, %c0_i32_0 : i32, i32, i32
  }
}

module attributes {stable_mosaic.version = 14 : i64} {
  func.func @_p2_body(%arg0: i32, %arg1: i32, %arg2: memref<1x1x1024x16xf32, #tpu.memory_space<vmem>>, %arg3: memref<1x1024x16xf32, #tpu.memory_space<vmem>>, %arg4: memref<8x64xf32, #tpu.memory_space<vmem>>, %arg5: memref<1x1x1024x64xf32, #tpu.memory_space<vmem>>, %arg6: memref<2x64xf32, #tpu.memory_space<vmem>>, %arg7: memref<2x64xf32, #tpu.memory_space<vmem>>) attributes {dimension_semantics = [#tpu.dimension_semantics<arbitrary>, #tpu.dimension_semantics<arbitrary>], iteration_bounds = array<i64: 8, 20>, scalar_prefetch = 0 : i64, scratch_operands = 1 : i64, tpu.core_type = #tpu.core_type<tc>, window_params = [{transform_indices = @transform_0, window_bounds = array<i64: 1, 1, 1024, 16>}, {transform_indices = @transform_1, window_bounds = array<i64: 1, 1024, 16>}, {pipeline_mode = #tpu.pipeline_mode<synchronous>, transform_indices = @transform_2, window_bounds = array<i64: 8, 64>}, {transform_indices = @transform_3, window_bounds = array<i64: 1, 1, 1024, 64>}, {pipeline_mode = #tpu.pipeline_mode<synchronous>, transform_indices = @transform_4, window_bounds = array<i64: 2, 64>}]} {
    %mul3A = arith.constant 20 : i32
    %mul3A_0 = arith.muli %arg0, %mul3A : i32
    %add3A = arith.addi %mul3A_0, %arg1 : i32
    %get3A = arith.constant 0 : index
    %get3A_1 = arith.constant 0 : index
    %get3A_2 = arith.constant 0 : index
    %get3A_3 = arith.constant 0 : index
    %get3A_4 = vector.load %arg2[%get3A, %get3A_1, %get3A_2, %get3A_3] : memref<1x1x1024x16xf32, #tpu.memory_space<vmem>>, vector<1x1x1024x16xf32>
    %get3A_5 = vector.shape_cast %get3A_4 : vector<1x1x1024x16xf32> to vector<1024x16xf32>
    %get3A_6 = arith.constant 0 : index
    %get3A_7 = arith.constant 0 : index
    %get3A_8 = arith.constant 0 : index
    %get3A_9 = vector.load %arg3[%get3A_6, %get3A_7, %get3A_8] : memref<1x1024x16xf32, #tpu.memory_space<vmem>>, vector<1x1024x16xf32>
    %get3A_10 = vector.shape_cast %get3A_9 : vector<1x1024x16xf32> to vector<1024x16xf32>
    %mul3A_11 = arith.mulf %get3A_5, %get3A_5 : vector<1024x16xf32>
    %reduce_sum3A = arith.constant dense<0.000000e+00> : vector<1024xf32>
    %reduce_sum3A_12 = vector.multi_reduction <add>, %mul3A_11, %reduce_sum3A [1] : vector<1024x16xf32> to vector<1024xf32>
    %broadcast_in_dim3A = vector.shape_cast %reduce_sum3A_12 : vector<1024xf32> to vector<1024x1xf32>
    %mul3A_13 = arith.mulf %get3A_10, %get3A_10 : vector<1024x16xf32>
    %reduce_sum3A_14 = arith.constant dense<0.000000e+00> : vector<1024xf32>
    %reduce_sum3A_15 = vector.multi_reduction <add>, %mul3A_13, %reduce_sum3A_14 [1] : vector<1024x16xf32> to vector<1024xf32>
    %broadcast_in_dim3A_16 = vector.shape_cast %reduce_sum3A_15 : vector<1024xf32> to vector<1024x1xf32>
    %mul3A_17 = arith.mulf %get3A_5, %get3A_10 : vector<1024x16xf32>
    %reduce_sum3A_18 = arith.constant dense<0.000000e+00> : vector<1024xf32>
    %reduce_sum3A_19 = vector.multi_reduction <add>, %mul3A_17, %reduce_sum3A_18 [1] : vector<1024x16xf32> to vector<1024xf32>
    %broadcast_in_dim3A_20 = vector.shape_cast %reduce_sum3A_19 : vector<1024xf32> to vector<1024x1xf32>
    %neg3A = arith.constant 0.000000e+00 : f32
    %neg3A_21 = vector.broadcast %neg3A : f32 to vector<1024x1xf32>
    %neg3A_22 = arith.subf %neg3A_21, %broadcast_in_dim3A_20 : vector<1024x1xf32>
    %mul3A_23 = arith.constant 2.000000e-02 : f32
    %mul3A_24 = vector.broadcast %mul3A_23 : f32 to vector<1024x1xf32>
    %mul3A_25 = arith.mulf %mul3A_24, %neg3A_22 : vector<1024x1xf32>
    %add3A_26 = arith.constant 1.000000e+00 : f32
    %add3A_27 = vector.broadcast %add3A_26 : f32 to vector<1024x1xf32>
    %add3A_28 = arith.addf %add3A_27, %mul3A_25 : vector<1024x1xf32>
    %mul3A_29 = arith.constant 0.00999999977 : f32
    %mul3A_30 = vector.broadcast %mul3A_29 : f32 to vector<1024x1xf32>
    %mul3A_31 = arith.mulf %mul3A_30, %broadcast_in_dim3A_16 : vector<1024x1xf32>
    %add3A_32 = arith.addf %add3A_28, %mul3A_31 : vector<1024x1xf32>
    %mul3A_33 = vector.broadcast %add3A_32 : vector<1024x1xf32> to vector<1024x16xf32>
    %mul3A_34 = arith.mulf %mul3A_33, %get3A_5 : vector<1024x16xf32>
    %mul3A_35 = arith.constant 0.00999999977 : f32
    %mul3A_36 = vector.broadcast %mul3A_35 : f32 to vector<1024x1xf32>
    %mul3A_37 = arith.mulf %mul3A_36, %broadcast_in_dim3A : vector<1024x1xf32>
    %sub3A = arith.constant 1.000000e+00 : f32
    %sub3A_38 = vector.broadcast %sub3A : f32 to vector<1024x1xf32>
    %sub3A_39 = arith.subf %sub3A_38, %mul3A_37 : vector<1024x1xf32>
    %mul3A_40 = vector.broadcast %sub3A_39 : vector<1024x1xf32> to vector<1024x16xf32>
    %mul3A_41 = arith.mulf %mul3A_40, %get3A_10 : vector<1024x16xf32>
    %sub3A_42 = arith.subf %mul3A_34, %mul3A_41 : vector<1024x16xf32>
    %mul3A_43 = arith.constant 2.000000e-02 : f32
    %mul3A_44 = vector.broadcast %mul3A_43 : f32 to vector<1024x1xf32>
    %mul3A_45 = arith.mulf %mul3A_44, %neg3A_22 : vector<1024x1xf32>
    %add3A_46 = arith.constant 1.000000e+00 : f32
    %add3A_47 = vector.broadcast %add3A_46 : f32 to vector<1024x1xf32>
    %add3A_48 = arith.addf %add3A_47, %mul3A_45 : vector<1024x1xf32>
    %mul3A_49 = arith.constant 9.99999974E-5 : f32
    %mul3A_50 = vector.broadcast %mul3A_49 : f32 to vector<1024x1xf32>
    %mul3A_51 = arith.mulf %mul3A_50, %broadcast_in_dim3A : vector<1024x1xf32>
    %mul3A_52 = arith.mulf %mul3A_51, %broadcast_in_dim3A_16 : vector<1024x1xf32>
    %add3A_53 = arith.addf %add3A_48, %mul3A_52 : vector<1024x1xf32>
    %max3A = arith.constant 1.000000e-07 : f32
    %max3A_54 = vector.broadcast %max3A : f32 to vector<1024x1xf32>
    %max3A_55 = arith.maximumf %add3A_53, %max3A_54 : vector<1024x1xf32>
    %div3A = vector.broadcast %max3A_55 : vector<1024x1xf32> to vector<1024x16xf32>
    %div3A_56 = arith.divf %sub3A_42, %div3A : vector<1024x16xf32>
    %mul3A_57 = arith.mulf %div3A_56, %div3A_56 : vector<1024x16xf32>
    %reduce_sum3A_58 = arith.constant dense<0.000000e+00> : vector<1024xf32>
    %reduce_sum3A_59 = vector.multi_reduction <add>, %mul3A_57, %reduce_sum3A_58 [1] : vector<1024x16xf32> to vector<1024xf32>
    %broadcast_in_dim3A_60 = vector.shape_cast %reduce_sum3A_59 : vector<1024xf32> to vector<1024x1xf32>
    %add3A_61 = arith.addf %broadcast_in_dim3A_60, %broadcast_in_dim3A_16 : vector<1024x1xf32>
    %max3A_62 = arith.constant 9.99999982E-15 : f32
    %max3A_63 = vector.broadcast %max3A_62 : f32 to vector<1024x1xf32>
    %max3A_64 = arith.maximumf %add3A_61, %max3A_63 : vector<1024x1xf32>
    %sqrt3A = math.sqrt %max3A_64 : vector<1024x1xf32>
    %slice3A = vector.extract_strided_slice %div3A_56 {offsets = [0, 0], sizes = [1024, 3], strides = [1, 1]} : vector<1024x16xf32> to vector<1024x3xf32>
    %slice3A_65 = vector.extract_strided_slice %get3A_10 {offsets = [0, 0], sizes = [1024, 3], strides = [1, 1]} : vector<1024x16xf32> to vector<1024x3xf32>
    %broadcast_in_dim3A_66 = arith.constant 0.000000e+00 : f32
    %broadcast_in_dim3A_67 = vector.broadcast %broadcast_in_dim3A_66 : f32 to vector<1024x2xf32>
    %concatenate3A = tpu.concatenate %slice3A, %slice3A_65, %broadcast_in_dim3A_67 in 1 : vector<1024x3xf32>, vector<1024x3xf32>, vector<1024x2xf32> -> vector<1024x8xf32>
    %convert_element_type3A = arith.truncf %concatenate3A : vector<1024x8xf32> to vector<1024x8xbf16>
    %get3A_68 = arith.constant 0 : index
    %get3A_69 = arith.constant 0 : index
    %get3A_70 = vector.load %arg4[%get3A_68, %get3A_69] : memref<8x64xf32, #tpu.memory_space<vmem>>, vector<8x64xf32>
    %convert_element_type3A_71 = arith.truncf %get3A_70 : vector<8x64xf32> to vector<8x64xbf16>
    %dot_general3A = arith.constant dense<0.000000e+00> : vector<1024x64xf32>
    %dot_general3A_72 = tpu.matmul %convert_element_type3A, %convert_element_type3A_71, %dot_general3A {dimension_numbers = #tpu.dot_dimension_numbers<[1], [0], [0], [1], [0, 0, 1, 1], [], []>, transpose_lhs_hint = false} : vector<1024x8xbf16>, vector<8x64xbf16>, vector<1024x64xf32> -> vector<1024x64xf32>
    %mul3A_73 = arith.mulf %dot_general3A_72, %dot_general3A_72 : vector<1024x64xf32>
    %reduce_sum3A_74 = arith.constant dense<0.000000e+00> : vector<1024xf32>
    %reduce_sum3A_75 = vector.multi_reduction <add>, %mul3A_73, %reduce_sum3A_74 [1] : vector<1024x64xf32> to vector<1024xf32>
    %broadcast_in_dim3A_76 = vector.shape_cast %reduce_sum3A_75 : vector<1024xf32> to vector<1024x1xf32>
    %max3A_77 = arith.constant 9.99999982E-15 : f32
    %max3A_78 = vector.broadcast %max3A_77 : f32 to vector<1024x1xf32>
    %max3A_79 = arith.maximumf %broadcast_in_dim3A_76, %max3A_78 : vector<1024x1xf32>
    %sqrt3A_80 = math.sqrt %max3A_79 : vector<1024x1xf32>
    %div3A_81 = arith.divf %sqrt3A_80, %sqrt3A : vector<1024x1xf32>
    %mul3A_82 = arith.constant 1.000000e-01 : f32
    %mul3A_83 = vector.broadcast %mul3A_82 : f32 to vector<1024x1xf32>
    %mul3A_84 = arith.mulf %mul3A_83, %sqrt3A : vector<1024x1xf32>
    %jit3A = arith.constant -0.999989986 : f32
    %jit3A_85 = arith.constant 0.999989986 : f32
    %max3A_86 = vector.broadcast %jit3A : f32 to vector<1024x1xf32>
    %max3A_87 = arith.maximumf %max3A_86, %mul3A_84 : vector<1024x1xf32>
    %min3A = vector.broadcast %jit3A_85 : f32 to vector<1024x1xf32>
    %min3A_88 = arith.minimumf %min3A, %max3A_87 : vector<1024x1xf32>
    %log1p3A = math.log1p %min3A_88 : vector<1024x1xf32>
    %neg3A_89 = arith.constant 0.000000e+00 : f32
    %neg3A_90 = vector.broadcast %neg3A_89 : f32 to vector<1024x1xf32>
    %neg3A_91 = arith.subf %neg3A_90, %min3A_88 : vector<1024x1xf32>
    %log1p3A_92 = math.log1p %neg3A_91 : vector<1024x1xf32>
    %sub3A_93 = arith.subf %log1p3A, %log1p3A_92 : vector<1024x1xf32>
    %mul3A_94 = arith.constant 5.000000e-01 : f32
    %mul3A_95 = vector.broadcast %mul3A_94 : f32 to vector<1024x1xf32>
    %mul3A_96 = arith.mulf %mul3A_95, %sub3A_93 : vector<1024x1xf32>
    %mul3A_97 = arith.mulf %div3A_81, %mul3A_96 : vector<1024x1xf32>
    %tanh3A = math.tanh %mul3A_97 : vector<1024x1xf32>
    %min3A_98 = arith.constant 9.990000e-01 : f32
    %min3A_99 = vector.broadcast %min3A_98 : f32 to vector<1024x1xf32>
    %min3A_100 = arith.minimumf %tanh3A, %min3A_99 : vector<1024x1xf32>
    %div3A_101 = arith.constant 1.000000e-01 : f32
    %div3A_102 = vector.broadcast %div3A_101 : f32 to vector<1024x1xf32>
    %div3A_103 = arith.divf %min3A_100, %div3A_102 : vector<1024x1xf32>
    %max3A_104 = arith.constant 1.000000e-07 : f32
    %max3A_105 = vector.broadcast %max3A_104 : f32 to vector<1024x1xf32>
    %max3A_106 = arith.maximumf %div3A_103, %max3A_105 : vector<1024x1xf32>
    %mul3A_107 = arith.constant 1.000000e-01 : f32
    %mul3A_108 = vector.broadcast %mul3A_107 : f32 to vector<1024x1xf32>
    %mul3A_109 = arith.mulf %mul3A_108, %max3A_106 : vector<1024x1xf32>
    %jit3A_110 = arith.constant -0.999989986 : f32
    %jit3A_111 = arith.constant 0.999989986 : f32
    %max3A_112 = vector.broadcast %jit3A_110 : f32 to vector<1024x1xf32>
    %max3A_113 = arith.maximumf %max3A_112, %mul3A_109 : vector<1024x1xf32>
    %min3A_114 = vector.broadcast %jit3A_111 : f32 to vector<1024x1xf32>
    %min3A_115 = arith.minimumf %min3A_114, %max3A_113 : vector<1024x1xf32>
    %log1p3A_116 = math.log1p %min3A_115 : vector<1024x1xf32>
    %neg3A_117 = arith.constant 0.000000e+00 : f32
    %neg3A_118 = vector.broadcast %neg3A_117 : f32 to vector<1024x1xf32>
    %neg3A_119 = arith.subf %neg3A_118, %min3A_115 : vector<1024x1xf32>
    %log1p3A_120 = math.log1p %neg3A_119 : vector<1024x1xf32>
    %sub3A_121 = arith.subf %log1p3A_116, %log1p3A_120 : vector<1024x1xf32>
    %mul3A_122 = arith.constant 5.000000e-01 : f32
    %mul3A_123 = vector.broadcast %mul3A_122 : f32 to vector<1024x1xf32>
    %mul3A_124 = arith.mulf %mul3A_123, %sub3A_121 : vector<1024x1xf32>
    %mul3A_125 = arith.constant 1.000000e-01 : f32
    %mul3A_126 = vector.broadcast %mul3A_125 : f32 to vector<1024x1xf32>
    %mul3A_127 = arith.mulf %mul3A_126, %max3A_106 : vector<1024x1xf32>
    %div3A_128 = arith.divf %mul3A_124, %mul3A_127 : vector<1024x1xf32>
    %mul3A_129 = arith.constant 1.000000e-01 : f32
    %mul3A_130 = vector.broadcast %mul3A_129 : f32 to vector<1024x1xf32>
    %mul3A_131 = arith.mulf %mul3A_130, %sqrt3A_80 : vector<1024x1xf32>
    %div3A_132 = arith.divf %min3A_100, %mul3A_131 : vector<1024x1xf32>
    %mul3A_133 = arith.mulf %div3A_128, %div3A_132 : vector<1024x1xf32>
    %mul3A_134 = vector.broadcast %mul3A_133 : vector<1024x1xf32> to vector<1024x64xf32>
    %mul3A_135 = arith.mulf %dot_general3A_72, %mul3A_134 : vector<1024x64xf32>
    %swap3A = arith.constant 0 : index
    %swap3A_136 = arith.constant 0 : index
    %swap3A_137 = arith.constant 0 : index
    %swap3A_138 = arith.constant 0 : index
    %swap3A_139 = vector.load %arg5[%swap3A, %swap3A_136, %swap3A_137, %swap3A_138] : memref<1x1x1024x64xf32, #tpu.memory_space<vmem>>, vector<1x1x1024x64xf32>
    %swap3A_140 = vector.shape_cast %swap3A_139 : vector<1x1x1024x64xf32> to vector<1024x64xf32>
    %swap3A_141 = vector.shape_cast %mul3A_135 : vector<1024x64xf32> to vector<1x1x1024x64xf32>
    tpu.vector_store %arg5[%swap3A, %swap3A_136, %swap3A_137, %swap3A_138], %swap3A_141 {strides = array<i32>} : memref<1x1x1024x64xf32, #tpu.memory_space<vmem>>, vector<1x1x1024x64xf32>,
    %eq3A = arith.constant 0 : i32
    %eq3A_142 = arith.cmpi eq, %add3A, %eq3A : i32
    %convert_element_type3A_143 = arith.extui %eq3A_142 : i1 to i32
    %cond3A = arith.constant 0 : i32
    %cond3A_144 = arith.cmpi ne, %convert_element_type3A_143, %cond3A : i32
    scf.if %cond3A_144 {
      %broadcast_in_dim3A_171 = arith.constant 0.000000e+00 : f32
      %broadcast_in_dim3A_172 = vector.broadcast %broadcast_in_dim3A_171 : f32 to vector<2x64xf32>
      %swap3A_173 = arith.constant 0 : index
      %swap3A_174 = arith.constant 0 : index
      %swap3A_175 = vector.load %arg7[%swap3A_173, %swap3A_174] : memref<2x64xf32, #tpu.memory_space<vmem>>, vector<2x64xf32>
      tpu.vector_store %arg7[%swap3A_173, %swap3A_174], %broadcast_in_dim3A_172 {strides = array<i32>} : memref<2x64xf32, #tpu.memory_space<vmem>>, vector<2x64xf32>,
    } else {
    }
    %get3A_145 = arith.constant 0 : index
    %get3A_146 = arith.constant 0 : index
    %get3A_147 = vector.load %arg7[%get3A_145, %get3A_146] : memref<2x64xf32, #tpu.memory_space<vmem>>, vector<1x64xf32>
    %reduce_sum3A_148 = arith.constant dense<0.000000e+00> : vector<64xf32>
    %reduce_sum3A_149 = vector.multi_reduction <add>, %mul3A_135, %reduce_sum3A_148 [0] : vector<1024x64xf32> to vector<64xf32>
    %broadcast_in_dim3A_150 = vector.shape_cast %reduce_sum3A_149 : vector<64xf32> to vector<1x64xf32>
    %add3A_151 = arith.addf %get3A_147, %broadcast_in_dim3A_150 : vector<1x64xf32>
    %swap3A_152 = arith.constant 0 : index
    %swap3A_153 = arith.constant 0 : index
    %swap3A_154 = vector.load %arg7[%swap3A_152, %swap3A_153] : memref<2x64xf32, #tpu.memory_space<vmem>>, vector<1x64xf32>
    tpu.vector_store %arg7[%swap3A_152, %swap3A_153], %add3A_151 {strides = array<i32>} : memref<2x64xf32, #tpu.memory_space<vmem>>, vector<1x64xf32>,
    %get3A_155 = arith.constant 1 : index
    %get3A_156 = arith.constant 0 : index
    %get3A_157 = vector.load %arg7[%get3A_155, %get3A_156] : memref<2x64xf32, #tpu.memory_space<vmem>>, vector<1x64xf32>
    %mul3A_158 = arith.mulf %mul3A_135, %mul3A_135 : vector<1024x64xf32>
    %reduce_sum3A_159 = arith.constant dense<0.000000e+00> : vector<64xf32>
    %reduce_sum3A_160 = vector.multi_reduction <add>, %mul3A_158, %reduce_sum3A_159 [0] : vector<1024x64xf32> to vector<64xf32>
    %broadcast_in_dim3A_161 = vector.shape_cast %reduce_sum3A_160 : vector<64xf32> to vector<1x64xf32>
    %add3A_162 = arith.addf %get3A_157, %broadcast_in_dim3A_161 : vector<1x64xf32>
    %swap3A_163 = arith.constant 1 : index
    %swap3A_164 = arith.constant 0 : index
    %swap3A_165 = vector.load %arg7[%swap3A_163, %swap3A_164] : memref<2x64xf32, #tpu.memory_space<vmem>>, vector<1x64xf32>
    tpu.vector_store %arg7[%swap3A_163, %swap3A_164], %add3A_162 {strides = array<i32>} : memref<2x64xf32, #tpu.memory_space<vmem>>, vector<1x64xf32>,
    %eq3A_166 = arith.constant 159 : i32
    %eq3A_167 = arith.cmpi eq, %add3A, %eq3A_166 : i32
    %convert_element_type3A_168 = arith.extui %eq3A_167 : i1 to i32
    %cond3A_169 = arith.constant 0 : i32
    %cond3A_170 = arith.cmpi ne, %convert_element_type3A_168, %cond3A_169 : i32
    scf.if %cond3A_170 {
      %get3A_171 = arith.constant 0 : index
      %get3A_172 = arith.constant 0 : index
      %get3A_173 = vector.load %arg7[%get3A_171, %get3A_172] : memref<2x64xf32, #tpu.memory_space<vmem>>, vector<2x64xf32>
      %swap3A_174 = arith.constant 0 : index
      %swap3A_175 = arith.constant 0 : index
      %swap3A_176 = vector.load %arg6[%swap3A_174, %swap3A_175] : memref<2x64xf32, #tpu.memory_space<vmem>>, vector<2x64xf32>
      tpu.vector_store %arg6[%swap3A_174, %swap3A_175], %get3A_173 {strides = array<i32>} : memref<2x64xf32, #tpu.memory_space<vmem>>, vector<2x64xf32>,
    } else {
    }
    return
  }
  func.func @transform_0(%arg0: i32, %arg1: i32) -> (i32, i32, i32, i32) {
    %c0_i32 = arith.constant 0 : i32
    %c0_i32_0 = arith.constant 0 : i32
    %c0_i32_1 = arith.constant 0 : i32
    return %arg0, %arg1, %c0_i32, %c0_i32_0 : i32, i32, i32, i32
  }
  func.func @transform_1(%arg0: i32, %arg1: i32) -> (i32, i32, i32) {
    %c0_i32 = arith.constant 0 : i32
    %c0_i32_0 = arith.constant 0 : i32
    %c0_i32_1 = arith.constant 0 : i32
    return %arg0, %c0_i32, %c0_i32_0 : i32, i32, i32
  }
  func.func @transform_2(%arg0: i32, %arg1: i32) -> (i32, i32) {
    %c0_i32 = arith.constant 0 : i32
    %c0_i32_0 = arith.constant 0 : i32
    %c0_i32_1 = arith.constant 0 : i32
    return %c0_i32, %c0_i32_0 : i32, i32
  }
  func.func @transform_3(%arg0: i32, %arg1: i32) -> (i32, i32, i32, i32) {
    %c0_i32 = arith.constant 0 : i32
    %c0_i32_0 = arith.constant 0 : i32
    %c0_i32_1 = arith.constant 0 : i32
    return %arg0, %arg1, %c0_i32, %c0_i32_0 : i32, i32, i32, i32
  }
  func.func @transform_4(%arg0: i32, %arg1: i32) -> (i32, i32) {
    %c0_i32 = arith.constant 0 : i32
    %c0_i32_0 = arith.constant 0 : i32
    %c0_i32_1 = arith.constant 0 : i32
    return %c0_i32, %c0_i32_0 : i32, i32
  }
}

module attributes {stable_mosaic.version = 14 : i64} {
  func.func @_p3_body(%arg0: i32, %arg1: i32, %arg2: memref<1x1x1024x64xf32, #tpu.memory_space<vmem>>, %arg3: memref<2x64xf32, #tpu.memory_space<vmem>>, %arg4: memref<1x1024x64xf32, #tpu.memory_space<vmem>>, %arg5: memref<1x1024x1xf32, #tpu.memory_space<vmem>>, %arg6: memref<1024x64xf32, #tpu.memory_space<vmem>>) attributes {dimension_semantics = [#tpu.dimension_semantics<arbitrary>, #tpu.dimension_semantics<arbitrary>], iteration_bounds = array<i64: 8, 20>, scalar_prefetch = 0 : i64, scratch_operands = 1 : i64, tpu.core_type = #tpu.core_type<tc>, window_params = [{transform_indices = @transform_0, window_bounds = array<i64: 1, 1, 1024, 64>}, {pipeline_mode = #tpu.pipeline_mode<synchronous>, transform_indices = @transform_1, window_bounds = array<i64: 2, 64>}, {transform_indices = @transform_2, window_bounds = array<i64: 1, 1024, 64>}, {transform_indices = @transform_3, window_bounds = array<i64: 1, 1024, 1>}]} {
    %get3A = arith.constant 0 : index
    %get3A_0 = arith.constant 0 : index
    %get3A_1 = vector.load %arg3[%get3A, %get3A_0] : memref<2x64xf32, #tpu.memory_space<vmem>>, vector<1x64xf32>
    %div3A = arith.constant 1.638400e+05 : f32
    %div3A_2 = vector.broadcast %div3A : f32 to vector<1x64xf32>
    %div3A_3 = arith.divf %get3A_1, %div3A_2 : vector<1x64xf32>
    %get3A_4 = arith.constant 1 : index
    %get3A_5 = arith.constant 0 : index
    %get3A_6 = vector.load %arg3[%get3A_4, %get3A_5] : memref<2x64xf32, #tpu.memory_space<vmem>>, vector<1x64xf32>
    %div3A_7 = arith.constant 1.638400e+05 : f32
    %div3A_8 = vector.broadcast %div3A_7 : f32 to vector<1x64xf32>
    %div3A_9 = arith.divf %get3A_6, %div3A_8 : vector<1x64xf32>
    %mul3A = arith.mulf %div3A_3, %div3A_3 : vector<1x64xf32>
    %sub3A = arith.subf %div3A_9, %mul3A : vector<1x64xf32>
    %add3A = arith.constant 9.99999974E-6 : f32
    %add3A_10 = vector.broadcast %add3A : f32 to vector<1x64xf32>
    %add3A_11 = arith.addf %sub3A, %add3A_10 : vector<1x64xf32>
    %rsqrt3A = math.rsqrt %add3A_11 : vector<1x64xf32>
    %eq3A = arith.constant 0 : i32
    %eq3A_12 = arith.cmpi eq, %arg1, %eq3A : i32
    %convert_element_type3A = arith.extui %eq3A_12 : i1 to i32
    %cond3A = arith.constant 0 : i32
    %cond3A_13 = arith.cmpi ne, %convert_element_type3A, %cond3A : i32
    scf.if %cond3A_13 {
      %broadcast_in_dim3A_110 = arith.constant 0xFF800000 : f32
      %broadcast_in_dim3A_111 = vector.broadcast %broadcast_in_dim3A_110 : f32 to vector<1024x64xf32>
      %swap3A_112 = arith.constant 0 : index
      %swap3A_113 = arith.constant 0 : index
      %swap3A_114 = vector.load %arg6[%swap3A_112, %swap3A_113] : memref<1024x64xf32, #tpu.memory_space<vmem>>, vector<1024x64xf32>
      tpu.vector_store %arg6[%swap3A_112, %swap3A_113], %broadcast_in_dim3A_111 {strides = array<i32>} : memref<1024x64xf32, #tpu.memory_space<vmem>>, vector<1024x64xf32>,
    } else {
    }
    %get3A_14 = arith.constant 0 : index
    %get3A_15 = arith.constant 0 : index
    %get3A_16 = arith.constant 0 : index
    %get3A_17 = arith.constant 0 : index
    %get3A_18 = vector.load %arg2[%get3A_14, %get3A_15, %get3A_16, %get3A_17] : memref<1x1x1024x64xf32, #tpu.memory_space<vmem>>, vector<1x1x1024x64xf32>
    %get3A_19 = vector.shape_cast %get3A_18 : vector<1x1x1024x64xf32> to vector<1024x64xf32>
    %sub3A_20 = vector.broadcast %div3A_3 : vector<1x64xf32> to vector<1024x64xf32>
    %sub3A_21 = arith.subf %get3A_19, %sub3A_20 : vector<1024x64xf32>
    %mul3A_22 = vector.broadcast %rsqrt3A : vector<1x64xf32> to vector<1024x64xf32>
    %mul3A_23 = arith.mulf %sub3A_21, %mul3A_22 : vector<1024x64xf32>
    %mul3A_24 = arith.mulf %mul3A_23, %mul3A_23 : vector<1024x64xf32>
    %reduce_sum3A = arith.constant dense<0.000000e+00> : vector<1024xf32>
    %reduce_sum3A_25 = vector.multi_reduction <add>, %mul3A_24, %reduce_sum3A [1] : vector<1024x64xf32> to vector<1024xf32>
    %broadcast_in_dim3A = vector.shape_cast %reduce_sum3A_25 : vector<1024xf32> to vector<1024x1xf32>
    %max3A = arith.constant 9.99999982E-15 : f32
    %max3A_26 = vector.broadcast %max3A : f32 to vector<1024x1xf32>
    %max3A_27 = arith.maximumf %broadcast_in_dim3A, %max3A_26 : vector<1024x1xf32>
    %sqrt3A = math.sqrt %max3A_27 : vector<1024x1xf32>
    %mul3A_28 = arith.constant 1.000000e-01 : f32
    %mul3A_29 = vector.broadcast %mul3A_28 : f32 to vector<1024x1xf32>
    %mul3A_30 = arith.mulf %mul3A_29, %sqrt3A : vector<1024x1xf32>
    %tanh3A = math.tanh %mul3A_30 : vector<1024x1xf32>
    %min3A = arith.constant 9.990000e-01 : f32
    %min3A_31 = vector.broadcast %min3A : f32 to vector<1024x1xf32>
    %min3A_32 = arith.minimumf %tanh3A, %min3A_31 : vector<1024x1xf32>
    %mul3A_33 = arith.constant 1.000000e-01 : f32
    %mul3A_34 = vector.broadcast %mul3A_33 : f32 to vector<1024x1xf32>
    %mul3A_35 = arith.mulf %mul3A_34, %sqrt3A : vector<1024x1xf32>
    %div3A_36 = arith.divf %min3A_32, %mul3A_35 : vector<1024x1xf32>
    %mul3A_37 = vector.broadcast %div3A_36 : vector<1024x1xf32> to vector<1024x64xf32>
    %mul3A_38 = arith.mulf %mul3A_23, %mul3A_37 : vector<1024x64xf32>
    %mul3A_39 = arith.constant 1.000000e-01 : f32
    %mul3A_40 = vector.broadcast %mul3A_39 : f32 to vector<1024x1xf32>
    %mul3A_41 = arith.mulf %mul3A_40, %sqrt3A : vector<1024x1xf32>
    %tanh3A_42 = math.tanh %mul3A_41 : vector<1024x1xf32>
    %min3A_43 = arith.constant 9.990000e-01 : f32
    %min3A_44 = vector.broadcast %min3A_43 : f32 to vector<1024x1xf32>
    %min3A_45 = arith.minimumf %tanh3A_42, %min3A_44 : vector<1024x1xf32>
    %div3A_46 = arith.constant 1.000000e-01 : f32
    %div3A_47 = vector.broadcast %div3A_46 : f32 to vector<1024x1xf32>
    %div3A_48 = arith.divf %min3A_45, %div3A_47 : vector<1024x1xf32>
    %max3A_49 = arith.constant 1.000000e-07 : f32
    %max3A_50 = vector.broadcast %max3A_49 : f32 to vector<1024x1xf32>
    %max3A_51 = arith.maximumf %div3A_48, %max3A_50 : vector<1024x1xf32>
    %mul3A_52 = arith.constant 1.000000e-01 : f32
    %mul3A_53 = vector.broadcast %mul3A_52 : f32 to vector<1024x1xf32>
    %mul3A_54 = arith.mulf %mul3A_53, %max3A_51 : vector<1024x1xf32>
    %jit3A = arith.constant -0.999989986 : f32
    %jit3A_55 = arith.constant 0.999989986 : f32
    %max3A_56 = vector.broadcast %jit3A : f32 to vector<1024x1xf32>
    %max3A_57 = arith.maximumf %max3A_56, %mul3A_54 : vector<1024x1xf32>
    %min3A_58 = vector.broadcast %jit3A_55 : f32 to vector<1024x1xf32>
    %min3A_59 = arith.minimumf %min3A_58, %max3A_57 : vector<1024x1xf32>
    %log1p3A = math.log1p %min3A_59 : vector<1024x1xf32>
    %neg3A = arith.constant 0.000000e+00 : f32
    %neg3A_60 = vector.broadcast %neg3A : f32 to vector<1024x1xf32>
    %neg3A_61 = arith.subf %neg3A_60, %min3A_59 : vector<1024x1xf32>
    %log1p3A_62 = math.log1p %neg3A_61 : vector<1024x1xf32>
    %sub3A_63 = arith.subf %log1p3A, %log1p3A_62 : vector<1024x1xf32>
    %mul3A_64 = arith.constant 5.000000e-01 : f32
    %mul3A_65 = vector.broadcast %mul3A_64 : f32 to vector<1024x1xf32>
    %mul3A_66 = arith.mulf %mul3A_65, %sub3A_63 : vector<1024x1xf32>
    %mul3A_67 = arith.constant 1.000000e-01 : f32
    %mul3A_68 = vector.broadcast %mul3A_67 : f32 to vector<1024x1xf32>
    %mul3A_69 = arith.mulf %mul3A_68, %max3A_51 : vector<1024x1xf32>
    %div3A_70 = arith.divf %mul3A_66, %mul3A_69 : vector<1024x1xf32>
    %mul3A_71 = vector.broadcast %div3A_70 : vector<1024x1xf32> to vector<1024x64xf32>
    %mul3A_72 = arith.mulf %mul3A_38, %mul3A_71 : vector<1024x64xf32>
    %ge3A = arith.constant 0.000000e+00 : f32
    %ge3A_73 = vector.broadcast %ge3A : f32 to vector<1024x64xf32>
    %ge3A_74 = arith.cmpf oge, %mul3A_72, %ge3A_73 : vector<1024x64xf32>
    %mul3A_75 = arith.constant 2.000000e-01 : f32
    %mul3A_76 = vector.broadcast %mul3A_75 : f32 to vector<1024x64xf32>
    %mul3A_77 = arith.mulf %mul3A_76, %mul3A_72 : vector<1024x64xf32>
    %select_n3A = arith.select %ge3A_74, %mul3A_72, %mul3A_77 : vector<1024x64xi1>, vector<1024x64xf32>
    %mul3A_78 = arith.mulf %select_n3A, %select_n3A : vector<1024x64xf32>
    %reduce_sum3A_79 = arith.constant dense<0.000000e+00> : vector<1024xf32>
    %reduce_sum3A_80 = vector.multi_reduction <add>, %mul3A_78, %reduce_sum3A_79 [1] : vector<1024x64xf32> to vector<1024xf32>
    %broadcast_in_dim3A_81 = vector.shape_cast %reduce_sum3A_80 : vector<1024xf32> to vector<1024x1xf32>
    %max3A_82 = arith.constant 9.99999982E-15 : f32
    %max3A_83 = vector.broadcast %max3A_82 : f32 to vector<1024x1xf32>
    %max3A_84 = arith.maximumf %broadcast_in_dim3A_81, %max3A_83 : vector<1024x1xf32>
    %sqrt3A_85 = math.sqrt %max3A_84 : vector<1024x1xf32>
    %mul3A_86 = arith.constant 1.000000e-01 : f32
    %mul3A_87 = vector.broadcast %mul3A_86 : f32 to vector<1024x1xf32>
    %mul3A_88 = arith.mulf %mul3A_87, %sqrt3A_85 : vector<1024x1xf32>
    %tanh3A_89 = math.tanh %mul3A_88 : vector<1024x1xf32>
    %min3A_90 = arith.constant 9.990000e-01 : f32
    %min3A_91 = vector.broadcast %min3A_90 : f32 to vector<1024x1xf32>
    %min3A_92 = arith.minimumf %tanh3A_89, %min3A_91 : vector<1024x1xf32>
    %mul3A_93 = arith.constant 1.000000e-01 : f32
    %mul3A_94 = vector.broadcast %mul3A_93 : f32 to vector<1024x1xf32>
    %mul3A_95 = arith.mulf %mul3A_94, %sqrt3A_85 : vector<1024x1xf32>
    %div3A_96 = arith.divf %min3A_92, %mul3A_95 : vector<1024x1xf32>
    %get3A_97 = arith.constant 0 : index
    %get3A_98 = arith.constant 0 : index
    %get3A_99 = vector.load %arg6[%get3A_97, %get3A_98] : memref<1024x64xf32, #tpu.memory_space<vmem>>, vector<1024x64xf32>
    %mul3A_100 = vector.broadcast %div3A_96 : vector<1024x1xf32> to vector<1024x64xf32>
    %mul3A_101 = arith.mulf %select_n3A, %mul3A_100 : vector<1024x64xf32>
    %max3A_102 = arith.maximumf %get3A_99, %mul3A_101 : vector<1024x64xf32>
    %swap3A = arith.constant 0 : index
    %swap3A_103 = arith.constant 0 : index
    %swap3A_104 = vector.load %arg6[%swap3A, %swap3A_103] : memref<1024x64xf32, #tpu.memory_space<vmem>>, vector<1024x64xf32>
    tpu.vector_store %arg6[%swap3A, %swap3A_103], %max3A_102 {strides = array<i32>} : memref<1024x64xf32, #tpu.memory_space<vmem>>, vector<1024x64xf32>,
    %eq3A_105 = arith.constant 19 : i32
    %eq3A_106 = arith.cmpi eq, %arg1, %eq3A_105 : i32
    %convert_element_type3A_107 = arith.extui %eq3A_106 : i1 to i32
    %cond3A_108 = arith.constant 0 : i32
    %cond3A_109 = arith.cmpi ne, %convert_element_type3A_107, %cond3A_108 : i32
    scf.if %cond3A_109 {
      %get3A_110 = arith.constant 0 : index
      %get3A_111 = arith.constant 0 : index
      %get3A_112 = vector.load %arg6[%get3A_110, %get3A_111] : memref<1024x64xf32, #tpu.memory_space<vmem>>, vector<1024x64xf32>
      %mul3A_113 = arith.mulf %get3A_112, %get3A_112 : vector<1024x64xf32>
      %reduce_sum3A_114 = arith.constant dense<0.000000e+00> : vector<1024xf32>
      %reduce_sum3A_115 = vector.multi_reduction <add>, %mul3A_113, %reduce_sum3A_114 [1] : vector<1024x64xf32> to vector<1024xf32>
      %broadcast_in_dim3A_116 = vector.shape_cast %reduce_sum3A_115 : vector<1024xf32> to vector<1024x1xf32>
      %max3A_117 = arith.constant 9.99999982E-15 : f32
      %max3A_118 = vector.broadcast %max3A_117 : f32 to vector<1024x1xf32>
      %max3A_119 = arith.maximumf %broadcast_in_dim3A_116, %max3A_118 : vector<1024x1xf32>
      %sqrt3A_120 = math.sqrt %max3A_119 : vector<1024x1xf32>
      %mul3A_121 = arith.constant 1.000000e-01 : f32
      %mul3A_122 = vector.broadcast %mul3A_121 : f32 to vector<1024x1xf32>
      %mul3A_123 = arith.mulf %mul3A_122, %sqrt3A_120 : vector<1024x1xf32>
      %jit3A_124 = arith.constant -0.999989986 : f32
      %jit3A_125 = arith.constant 0.999989986 : f32
      %max3A_126 = vector.broadcast %jit3A_124 : f32 to vector<1024x1xf32>
      %max3A_127 = arith.maximumf %max3A_126, %mul3A_123 : vector<1024x1xf32>
      %min3A_128 = vector.broadcast %jit3A_125 : f32 to vector<1024x1xf32>
      %min3A_129 = arith.minimumf %min3A_128, %max3A_127 : vector<1024x1xf32>
      %log1p3A_130 = math.log1p %min3A_129 : vector<1024x1xf32>
      %neg3A_131 = arith.constant 0.000000e+00 : f32
      %neg3A_132 = vector.broadcast %neg3A_131 : f32 to vector<1024x1xf32>
      %neg3A_133 = arith.subf %neg3A_132, %min3A_129 : vector<1024x1xf32>
      %log1p3A_134 = math.log1p %neg3A_133 : vector<1024x1xf32>
      %sub3A_135 = arith.subf %log1p3A_130, %log1p3A_134 : vector<1024x1xf32>
      %mul3A_136 = arith.constant 5.000000e-01 : f32
      %mul3A_137 = vector.broadcast %mul3A_136 : f32 to vector<1024x1xf32>
      %mul3A_138 = arith.mulf %mul3A_137, %sub3A_135 : vector<1024x1xf32>
      %mul3A_139 = vector.broadcast %mul3A_138 : vector<1024x1xf32> to vector<1024x64xf32>
      %mul3A_140 = arith.mulf %mul3A_139, %get3A_112 : vector<1024x64xf32>
      %mul3A_141 = arith.constant 1.000000e-01 : f32
      %mul3A_142 = vector.broadcast %mul3A_141 : f32 to vector<1024x1xf32>
      %mul3A_143 = arith.mulf %mul3A_142, %sqrt3A_120 : vector<1024x1xf32>
      %div3A_144 = vector.broadcast %mul3A_143 : vector<1024x1xf32> to vector<1024x64xf32>
      %div3A_145 = arith.divf %mul3A_140, %div3A_144 : vector<1024x64xf32>
      %swap3A_146 = arith.constant 0 : index
      %swap3A_147 = arith.constant 0 : index
      %swap3A_148 = arith.constant 0 : index
      %swap3A_149 = vector.load %arg4[%swap3A_146, %swap3A_147, %swap3A_148] : memref<1x1024x64xf32, #tpu.memory_space<vmem>>, vector<1x1024x64xf32>
      %swap3A_150 = vector.shape_cast %swap3A_149 : vector<1x1024x64xf32> to vector<1024x64xf32>
      %swap3A_151 = vector.shape_cast %div3A_145 : vector<1024x64xf32> to vector<1x1024x64xf32>
      tpu.vector_store %arg4[%swap3A_146, %swap3A_147, %swap3A_148], %swap3A_151 {strides = array<i32>} : memref<1x1024x64xf32, #tpu.memory_space<vmem>>, vector<1x1024x64xf32>,
      %mul3A_152 = arith.mulf %div3A_145, %div3A_145 : vector<1024x64xf32>
      %reduce_sum3A_153 = arith.constant dense<0.000000e+00> : vector<1024xf32>
      %reduce_sum3A_154 = vector.multi_reduction <add>, %mul3A_152, %reduce_sum3A_153 [1] : vector<1024x64xf32> to vector<1024xf32>
      %broadcast_in_dim3A_155 = vector.shape_cast %reduce_sum3A_154 : vector<1024xf32> to vector<1024x1xf32>
      %swap3A_156 = arith.constant 0 : index
      %swap3A_157 = arith.constant 0 : index
      %swap3A_158 = arith.constant 0 : index
      %swap3A_159 = vector.load %arg5[%swap3A_156, %swap3A_157, %swap3A_158] : memref<1x1024x1xf32, #tpu.memory_space<vmem>>, vector<1x1024x1xf32>
      %swap3A_160 = vector.shape_cast %swap3A_159 : vector<1x1024x1xf32> to vector<1024x1xf32>
      %swap3A_161 = vector.shape_cast %broadcast_in_dim3A_155 : vector<1024x1xf32> to vector<1x1024x1xf32>
      tpu.vector_store %arg5[%swap3A_156, %swap3A_157, %swap3A_158], %swap3A_161 {strides = array<i32>} : memref<1x1024x1xf32, #tpu.memory_space<vmem>>, vector<1x1024x1xf32>,
    } else {
    }
    return
  }
  func.func @transform_0(%arg0: i32, %arg1: i32) -> (i32, i32, i32, i32) {
    %c0_i32 = arith.constant 0 : i32
    %c0_i32_0 = arith.constant 0 : i32
    %c0_i32_1 = arith.constant 0 : i32
    return %arg0, %arg1, %c0_i32, %c0_i32_0 : i32, i32, i32, i32
  }
  func.func @transform_1(%arg0: i32, %arg1: i32) -> (i32, i32) {
    %c0_i32 = arith.constant 0 : i32
    %c0_i32_0 = arith.constant 0 : i32
    %c0_i32_1 = arith.constant 0 : i32
    return %c0_i32, %c0_i32_0 : i32, i32
  }
  func.func @transform_2(%arg0: i32, %arg1: i32) -> (i32, i32, i32) {
    %c0_i32 = arith.constant 0 : i32
    %c0_i32_0 = arith.constant 0 : i32
    %c0_i32_1 = arith.constant 0 : i32
    return %arg0, %c0_i32, %c0_i32_0 : i32, i32, i32
  }
  func.func @transform_3(%arg0: i32, %arg1: i32) -> (i32, i32, i32) {
    %c0_i32 = arith.constant 0 : i32
    %c0_i32_0 = arith.constant 0 : i32
    %c0_i32_1 = arith.constant 0 : i32
    return %arg0, %c0_i32, %c0_i32_0 : i32, i32, i32
  }
}

module attributes {stable_mosaic.version = 14 : i64} {
  func.func @_pd_body(%arg0: i32, %arg1: memref<1x1024x64xf32, #tpu.memory_space<vmem>>, %arg2: memref<1x1024x1xf32, #tpu.memory_space<vmem>>, %arg3: memref<1x1x1024xf32, #tpu.memory_space<vmem>>, %arg4: memref<1x1024x1024xf32, #tpu.memory_space<vmem>>) attributes {dimension_semantics = [#tpu.dimension_semantics<arbitrary>], iteration_bounds = array<i64: 8>, scalar_prefetch = 0 : i64, scratch_operands = 0 : i64, tpu.core_type = #tpu.core_type<tc>, window_params = [{transform_indices = @transform_0, window_bounds = array<i64: 1, 1024, 64>}, {transform_indices = @transform_1, window_bounds = array<i64: 1, 1024, 1>}, {transform_indices = @transform_2, window_bounds = array<i64: 1, 1, 1024>}, {transform_indices = @transform_3, window_bounds = array<i64: 1, 1024, 1024>}]} {
    %get3A = arith.constant 0 : index
    %get3A_0 = arith.constant 0 : index
    %get3A_1 = arith.constant 0 : index
    %get3A_2 = vector.load %arg1[%get3A, %get3A_0, %get3A_1] : memref<1x1024x64xf32, #tpu.memory_space<vmem>>, vector<1x1024x64xf32>
    %get3A_3 = vector.shape_cast %get3A_2 : vector<1x1024x64xf32> to vector<1024x64xf32>
    %convert_element_type3A = arith.truncf %get3A_3 : vector<1024x64xf32> to vector<1024x64xbf16>
    %dot_general3A = arith.constant dense<0.000000e+00> : vector<1024x1024xf32>
    %dot_general3A_4 = tpu.matmul %convert_element_type3A, %convert_element_type3A, %dot_general3A {dimension_numbers = #tpu.dot_dimension_numbers<[1], [1], [0], [0], [0, 0, 1, 0], [], []>, transpose_lhs_hint = false} : vector<1024x64xbf16>, vector<1024x64xbf16>, vector<1024x1024xf32> -> vector<1024x1024xf32>
    %mul3A = arith.constant -2.000000e+00 : f32
    %mul3A_5 = vector.broadcast %mul3A : f32 to vector<1024x1024xf32>
    %mul3A_6 = arith.mulf %mul3A_5, %dot_general3A_4 : vector<1024x1024xf32>
    %get3A_7 = arith.constant 0 : index
    %get3A_8 = arith.constant 0 : index
    %get3A_9 = arith.constant 0 : index
    %get3A_10 = vector.load %arg2[%get3A_7, %get3A_8, %get3A_9] : memref<1x1024x1xf32, #tpu.memory_space<vmem>>, vector<1x1024x1xf32>
    %get3A_11 = vector.shape_cast %get3A_10 : vector<1x1024x1xf32> to vector<1024x1xf32>
    %neg3A = arith.constant 0.000000e+00 : f32
    %neg3A_12 = vector.broadcast %neg3A : f32 to vector<1024x1xf32>
    %neg3A_13 = arith.subf %neg3A_12, %get3A_11 : vector<1024x1xf32>
    %sub3A = vector.broadcast %neg3A_13 : vector<1024x1xf32> to vector<1024x1024xf32>
    %sub3A_14 = arith.subf %sub3A, %mul3A_6 : vector<1024x1024xf32>
    %get3A_15 = arith.constant 0 : index
    %get3A_16 = arith.constant 0 : index
    %get3A_17 = arith.constant 0 : index
    %get3A_18 = vector.load %arg3[%get3A_15, %get3A_16, %get3A_17] : memref<1x1x1024xf32, #tpu.memory_space<vmem>>, vector<1x1x1024xf32>
    %get3A_19 = vector.shape_cast %get3A_18 : vector<1x1x1024xf32> to vector<1x1024xf32>
    %sub3A_20 = vector.broadcast %get3A_19 : vector<1x1024xf32> to vector<1024x1024xf32>
    %sub3A_21 = arith.subf %sub3A_14, %sub3A_20 : vector<1024x1024xf32>
    %swap3A = arith.constant 0 : index
    %swap3A_22 = arith.constant 0 : index
    %swap3A_23 = arith.constant 0 : index
    %swap3A_24 = vector.load %arg4[%swap3A, %swap3A_22, %swap3A_23] : memref<1x1024x1024xf32, #tpu.memory_space<vmem>>, vector<1x1024x1024xf32>
    %swap3A_25 = vector.shape_cast %swap3A_24 : vector<1x1024x1024xf32> to vector<1024x1024xf32>
    %swap3A_26 = vector.shape_cast %sub3A_21 : vector<1024x1024xf32> to vector<1x1024x1024xf32>
    tpu.vector_store %arg4[%swap3A, %swap3A_22, %swap3A_23], %swap3A_26 {strides = array<i32>} : memref<1x1024x1024xf32, #tpu.memory_space<vmem>>, vector<1x1024x1024xf32>,
    return
  }
  func.func @transform_0(%arg0: i32) -> (i32, i32, i32) {
    %c0_i32 = arith.constant 0 : i32
    %c0_i32_0 = arith.constant 0 : i32
    %c0_i32_1 = arith.constant 0 : i32
    return %arg0, %c0_i32, %c0_i32_0 : i32, i32, i32
  }
  func.func @transform_1(%arg0: i32) -> (i32, i32, i32) {
    %c0_i32 = arith.constant 0 : i32
    %c0_i32_0 = arith.constant 0 : i32
    %c0_i32_1 = arith.constant 0 : i32
    return %arg0, %c0_i32, %c0_i32_0 : i32, i32, i32
  }
  func.func @transform_2(%arg0: i32) -> (i32, i32, i32) {
    %c0_i32 = arith.constant 0 : i32
    %c0_i32_0 = arith.constant 0 : i32
    %c0_i32_1 = arith.constant 0 : i32
    return %arg0, %c0_i32, %c0_i32_0 : i32, i32, i32
  }
  func.func @transform_3(%arg0: i32) -> (i32, i32, i32) {
    %c0_i32 = arith.constant 0 : i32
    %c0_i32_0 = arith.constant 0 : i32
    %c0_i32_1 = arith.constant 0 : i32
    return %arg0, %c0_i32, %c0_i32_0 : i32, i32, i32
  }
}

module attributes {stable_mosaic.version = 14 : i64} {
  func.func @_c1_body(%arg0: i32, %arg1: i32, %arg2: memref<1x1x1024x64xf32, #tpu.memory_space<vmem>>, %arg3: memref<1x1024x64xf32, #tpu.memory_space<vmem>>, %arg4: memref<64x64xf32, #tpu.memory_space<vmem>>, %arg5: memref<64x64xf32, #tpu.memory_space<vmem>>, %arg6: memref<1x1024x64xf32, #tpu.memory_space<vmem>>, %arg7: memref<2x64xf32, #tpu.memory_space<vmem>>, %arg8: memref<1024x64xf32, #tpu.memory_space<vmem>>, %arg9: memref<2x64xf32, #tpu.memory_space<vmem>>) attributes {dimension_semantics = [#tpu.dimension_semantics<arbitrary>, #tpu.dimension_semantics<arbitrary>], iteration_bounds = array<i64: 8, 20>, scalar_prefetch = 0 : i64, scratch_operands = 2 : i64, tpu.core_type = #tpu.core_type<tc>, window_params = [{transform_indices = @transform_0, window_bounds = array<i64: 1, 1, 1024, 64>}, {transform_indices = @transform_1, window_bounds = array<i64: 1, 1024, 64>}, {pipeline_mode = #tpu.pipeline_mode<synchronous>, transform_indices = @transform_2, window_bounds = array<i64: 64, 64>}, {pipeline_mode = #tpu.pipeline_mode<synchronous>, transform_indices = @transform_3, window_bounds = array<i64: 64, 64>}, {transform_indices = @transform_4, window_bounds = array<i64: 1, 1024, 64>}, {pipeline_mode = #tpu.pipeline_mode<synchronous>, transform_indices = @transform_5, window_bounds = array<i64: 2, 64>}]} {
    %get3A = arith.constant 0 : index
    %get3A_0 = arith.constant 0 : index
    %get3A_1 = arith.constant 0 : index
    %get3A_2 = vector.load %arg3[%get3A, %get3A_0, %get3A_1] : memref<1x1024x64xf32, #tpu.memory_space<vmem>>, vector<1x1024x64xf32>
    %get3A_3 = vector.shape_cast %get3A_2 : vector<1x1024x64xf32> to vector<1024x64xf32>
    %get3A_4 = arith.constant 0 : index
    %get3A_5 = arith.constant 0 : index
    %get3A_6 = arith.constant 0 : index
    %get3A_7 = arith.constant 0 : index
    %get3A_8 = vector.load %arg2[%get3A_4, %get3A_5, %get3A_6, %get3A_7] : memref<1x1x1024x64xf32, #tpu.memory_space<vmem>>, vector<1x1x1024x64xf32>
    %get3A_9 = vector.shape_cast %get3A_8 : vector<1x1x1024x64xf32> to vector<1024x64xf32>
    %sub3A = arith.subf %get3A_9, %get3A_3 : vector<1024x64xf32>
    %convert_element_type3A = arith.truncf %sub3A : vector<1024x64xf32> to vector<1024x64xbf16>
    %get3A_10 = arith.constant 0 : index
    %get3A_11 = arith.constant 0 : index
    %get3A_12 = vector.load %arg4[%get3A_10, %get3A_11] : memref<64x64xf32, #tpu.memory_space<vmem>>, vector<64x64xf32>
    %convert_element_type3A_13 = arith.truncf %get3A_12 : vector<64x64xf32> to vector<64x64xbf16>
    %dot_general3A = arith.constant dense<0.000000e+00> : vector<1024x64xf32>
    %dot_general3A_14 = tpu.matmul %convert_element_type3A, %convert_element_type3A_13, %dot_general3A {dimension_numbers = #tpu.dot_dimension_numbers<[1], [0], [0], [1], [0, 0, 1, 1], [], []>, transpose_lhs_hint = false} : vector<1024x64xbf16>, vector<64x64xbf16>, vector<1024x64xf32> -> vector<1024x64xf32>
    %convert_element_type3A_15 = arith.truncf %get3A_3 : vector<1024x64xf32> to vector<1024x64xbf16>
    %get3A_16 = arith.constant 0 : index
    %get3A_17 = arith.constant 0 : index
    %get3A_18 = vector.load %arg5[%get3A_16, %get3A_17] : memref<64x64xf32, #tpu.memory_space<vmem>>, vector<64x64xf32>
    %convert_element_type3A_19 = arith.truncf %get3A_18 : vector<64x64xf32> to vector<64x64xbf16>
    %dot_general3A_20 = arith.constant dense<0.000000e+00> : vector<1024x64xf32>
    %dot_general3A_21 = tpu.matmul %convert_element_type3A_15, %convert_element_type3A_19, %dot_general3A_20 {dimension_numbers = #tpu.dot_dimension_numbers<[1], [0], [0], [1], [0, 0, 1, 1], [], []>, transpose_lhs_hint = false} : vector<1024x64xbf16>, vector<64x64xbf16>, vector<1024x64xf32> -> vector<1024x64xf32>
    %add3A = arith.addf %dot_general3A_14, %dot_general3A_21 : vector<1024x64xf32>
    %mul3A = arith.constant 20 : i32
    %mul3A_22 = arith.muli %arg0, %mul3A : i32
    %add3A_23 = arith.addi %mul3A_22, %arg1 : i32
    %eq3A = arith.constant 0 : i32
    %eq3A_24 = arith.cmpi eq, %add3A_23, %eq3A : i32
    %convert_element_type3A_25 = arith.extui %eq3A_24 : i1 to i32
    %cond3A = arith.constant 0 : i32
    %cond3A_26 = arith.cmpi ne, %convert_element_type3A_25, %cond3A : i32
    scf.if %cond3A_26 {
      %broadcast_in_dim3A_66 = arith.constant 0.000000e+00 : f32
      %broadcast_in_dim3A_67 = vector.broadcast %broadcast_in_dim3A_66 : f32 to vector<2x64xf32>
      %swap3A_68 = arith.constant 0 : index
      %swap3A_69 = arith.constant 0 : index
      %swap3A_70 = vector.load %arg9[%swap3A_68, %swap3A_69] : memref<2x64xf32, #tpu.memory_space<vmem>>, vector<2x64xf32>
      tpu.vector_store %arg9[%swap3A_68, %swap3A_69], %broadcast_in_dim3A_67 {strides = array<i32>} : memref<2x64xf32, #tpu.memory_space<vmem>>, vector<2x64xf32>,
    } else {
    }
    %eq3A_27 = arith.constant 0 : i32
    %eq3A_28 = arith.cmpi eq, %arg1, %eq3A_27 : i32
    %convert_element_type3A_29 = arith.extui %eq3A_28 : i1 to i32
    %cond3A_30 = arith.constant 0 : i32
    %cond3A_31 = arith.cmpi ne, %convert_element_type3A_29, %cond3A_30 : i32
    scf.if %cond3A_31 {
      %broadcast_in_dim3A_66 = arith.constant 0xFF800000 : f32
      %broadcast_in_dim3A_67 = vector.broadcast %broadcast_in_dim3A_66 : f32 to vector<1024x64xf32>
      %swap3A_68 = arith.constant 0 : index
      %swap3A_69 = arith.constant 0 : index
      %swap3A_70 = vector.load %arg8[%swap3A_68, %swap3A_69] : memref<1024x64xf32, #tpu.memory_space<vmem>>, vector<1024x64xf32>
      tpu.vector_store %arg8[%swap3A_68, %swap3A_69], %broadcast_in_dim3A_67 {strides = array<i32>} : memref<1024x64xf32, #tpu.memory_space<vmem>>, vector<1024x64xf32>,
    } else {
    }
    %get3A_32 = arith.constant 0 : index
    %get3A_33 = arith.constant 0 : index
    %get3A_34 = vector.load %arg9[%get3A_32, %get3A_33] : memref<2x64xf32, #tpu.memory_space<vmem>>, vector<1x64xf32>
    %reduce_sum3A = arith.constant dense<0.000000e+00> : vector<64xf32>
    %reduce_sum3A_35 = vector.multi_reduction <add>, %add3A, %reduce_sum3A [0] : vector<1024x64xf32> to vector<64xf32>
    %broadcast_in_dim3A = vector.shape_cast %reduce_sum3A_35 : vector<64xf32> to vector<1x64xf32>
    %add3A_36 = arith.addf %get3A_34, %broadcast_in_dim3A : vector<1x64xf32>
    %swap3A = arith.constant 0 : index
    %swap3A_37 = arith.constant 0 : index
    %swap3A_38 = vector.load %arg9[%swap3A, %swap3A_37] : memref<2x64xf32, #tpu.memory_space<vmem>>, vector<1x64xf32>
    tpu.vector_store %arg9[%swap3A, %swap3A_37], %add3A_36 {strides = array<i32>} : memref<2x64xf32, #tpu.memory_space<vmem>>, vector<1x64xf32>,
    %get3A_39 = arith.constant 1 : index
    %get3A_40 = arith.constant 0 : index
    %get3A_41 = vector.load %arg9[%get3A_39, %get3A_40] : memref<2x64xf32, #tpu.memory_space<vmem>>, vector<1x64xf32>
    %mul3A_42 = arith.mulf %add3A, %add3A : vector<1024x64xf32>
    %reduce_sum3A_43 = arith.constant dense<0.000000e+00> : vector<64xf32>
    %reduce_sum3A_44 = vector.multi_reduction <add>, %mul3A_42, %reduce_sum3A_43 [0] : vector<1024x64xf32> to vector<64xf32>
    %broadcast_in_dim3A_45 = vector.shape_cast %reduce_sum3A_44 : vector<64xf32> to vector<1x64xf32>
    %add3A_46 = arith.addf %get3A_41, %broadcast_in_dim3A_45 : vector<1x64xf32>
    %swap3A_47 = arith.constant 1 : index
    %swap3A_48 = arith.constant 0 : index
    %swap3A_49 = vector.load %arg9[%swap3A_47, %swap3A_48] : memref<2x64xf32, #tpu.memory_space<vmem>>, vector<1x64xf32>
    tpu.vector_store %arg9[%swap3A_47, %swap3A_48], %add3A_46 {strides = array<i32>} : memref<2x64xf32, #tpu.memory_space<vmem>>, vector<1x64xf32>,
    %get3A_50 = arith.constant 0 : index
    %get3A_51 = arith.constant 0 : index
    %get3A_52 = vector.load %arg8[%get3A_50, %get3A_51] : memref<1024x64xf32, #tpu.memory_space<vmem>>, vector<1024x64xf32>
    %max3A = arith.maximumf %get3A_52, %add3A : vector<1024x64xf32>
    %swap3A_53 = arith.constant 0 : index
    %swap3A_54 = arith.constant 0 : index
    %swap3A_55 = vector.load %arg8[%swap3A_53, %swap3A_54] : memref<1024x64xf32, #tpu.memory_space<vmem>>, vector<1024x64xf32>
    tpu.vector_store %arg8[%swap3A_53, %swap3A_54], %max3A {strides = array<i32>} : memref<1024x64xf32, #tpu.memory_space<vmem>>, vector<1024x64xf32>,
    %eq3A_56 = arith.constant 19 : i32
    %eq3A_57 = arith.cmpi eq, %arg1, %eq3A_56 : i32
    %convert_element_type3A_58 = arith.extui %eq3A_57 : i1 to i32
    %cond3A_59 = arith.constant 0 : i32
    %cond3A_60 = arith.cmpi ne, %convert_element_type3A_58, %cond3A_59 : i32
    scf.if %cond3A_60 {
      %get3A_66 = arith.constant 0 : index
      %get3A_67 = arith.constant 0 : index
      %get3A_68 = vector.load %arg8[%get3A_66, %get3A_67] : memref<1024x64xf32, #tpu.memory_space<vmem>>, vector<1024x64xf32>
      %swap3A_69 = arith.constant 0 : index
      %swap3A_70 = arith.constant 0 : index
      %swap3A_71 = arith.constant 0 : index
      %swap3A_72 = vector.load %arg6[%swap3A_69, %swap3A_70, %swap3A_71] : memref<1x1024x64xf32, #tpu.memory_space<vmem>>, vector<1x1024x64xf32>
      %swap3A_73 = vector.shape_cast %swap3A_72 : vector<1x1024x64xf32> to vector<1024x64xf32>
      %swap3A_74 = vector.shape_cast %get3A_68 : vector<1024x64xf32> to vector<1x1024x64xf32>
      tpu.vector_store %arg6[%swap3A_69, %swap3A_70, %swap3A_71], %swap3A_74 {strides = array<i32>} : memref<1x1024x64xf32, #tpu.memory_space<vmem>>, vector<1x1024x64xf32>,
    } else {
    }
    %eq3A_61 = arith.constant 159 : i32
    %eq3A_62 = arith.cmpi eq, %add3A_23, %eq3A_61 : i32
    %convert_element_type3A_63 = arith.extui %eq3A_62 : i1 to i32
    %cond3A_64 = arith.constant 0 : i32
    %cond3A_65 = arith.cmpi ne, %convert_element_type3A_63, %cond3A_64 : i32
    scf.if %cond3A_65 {
      %get3A_66 = arith.constant 0 : index
      %get3A_67 = arith.constant 0 : index
      %get3A_68 = vector.load %arg9[%get3A_66, %get3A_67] : memref<2x64xf32, #tpu.memory_space<vmem>>, vector<1x64xf32>
      %div3A = arith.constant 1.638400e+05 : f32
      %div3A_69 = vector.broadcast %div3A : f32 to vector<1x64xf32>
      %div3A_70 = arith.divf %get3A_68, %div3A_69 : vector<1x64xf32>
      %get3A_71 = arith.constant 1 : index
      %get3A_72 = arith.constant 0 : index
      %get3A_73 = vector.load %arg9[%get3A_71, %get3A_72] : memref<2x64xf32, #tpu.memory_space<vmem>>, vector<1x64xf32>
      %div3A_74 = arith.constant 1.638400e+05 : f32
      %div3A_75 = vector.broadcast %div3A_74 : f32 to vector<1x64xf32>
      %div3A_76 = arith.divf %get3A_73, %div3A_75 : vector<1x64xf32>
      %mul3A_77 = arith.mulf %div3A_70, %div3A_70 : vector<1x64xf32>
      %sub3A_78 = arith.subf %div3A_76, %mul3A_77 : vector<1x64xf32>
      %swap3A_79 = arith.constant 0 : index
      %swap3A_80 = arith.constant 0 : index
      %swap3A_81 = vector.load %arg7[%swap3A_79, %swap3A_80] : memref<2x64xf32, #tpu.memory_space<vmem>>, vector<1x64xf32>
      tpu.vector_store %arg7[%swap3A_79, %swap3A_80], %div3A_70 {strides = array<i32>} : memref<2x64xf32, #tpu.memory_space<vmem>>, vector<1x64xf32>,
      %add3A_82 = arith.constant 9.99999974E-6 : f32
      %add3A_83 = vector.broadcast %add3A_82 : f32 to vector<1x64xf32>
      %add3A_84 = arith.addf %sub3A_78, %add3A_83 : vector<1x64xf32>
      %rsqrt3A = math.rsqrt %add3A_84 : vector<1x64xf32>
      %swap3A_85 = arith.constant 1 : index
      %swap3A_86 = arith.constant 0 : index
      %swap3A_87 = vector.load %arg7[%swap3A_85, %swap3A_86] : memref<2x64xf32, #tpu.memory_space<vmem>>, vector<1x64xf32>
      tpu.vector_store %arg7[%swap3A_85, %swap3A_86], %rsqrt3A {strides = array<i32>} : memref<2x64xf32, #tpu.memory_space<vmem>>, vector<1x64xf32>,
    } else {
    }
    return
  }
  func.func @transform_0(%arg0: i32, %arg1: i32) -> (i32, i32, i32, i32) {
    %c0_i32 = arith.constant 0 : i32
    %c0_i32_0 = arith.constant 0 : i32
    %c0_i32_1 = arith.constant 0 : i32
    return %arg0, %arg1, %c0_i32, %c0_i32_0 : i32, i32, i32, i32
  }
  func.func @transform_1(%arg0: i32, %arg1: i32) -> (i32, i32, i32) {
    %c0_i32 = arith.constant 0 : i32
    %c0_i32_0 = arith.constant 0 : i32
    %c0_i32_1 = arith.constant 0 : i32
    return %arg0, %c0_i32, %c0_i32_0 : i32, i32, i32
  }
  func.func @transform_2(%arg0: i32, %arg1: i32) -> (i32, i32) {
    %c0_i32 = arith.constant 0 : i32
    %c0_i32_0 = arith.constant 0 : i32
    %c0_i32_1 = arith.constant 0 : i32
    return %c0_i32, %c0_i32_0 : i32, i32
  }
  func.func @transform_3(%arg0: i32, %arg1: i32) -> (i32, i32) {
    %c0_i32 = arith.constant 0 : i32
    %c0_i32_0 = arith.constant 0 : i32
    %c0_i32_1 = arith.constant 0 : i32
    return %c0_i32, %c0_i32_0 : i32, i32
  }
  func.func @transform_4(%arg0: i32, %arg1: i32) -> (i32, i32, i32) {
    %c0_i32 = arith.constant 0 : i32
    %c0_i32_0 = arith.constant 0 : i32
    %c0_i32_1 = arith.constant 0 : i32
    return %arg0, %c0_i32, %c0_i32_0 : i32, i32, i32
  }
  func.func @transform_5(%arg0: i32, %arg1: i32) -> (i32, i32) {
    %c0_i32 = arith.constant 0 : i32
    %c0_i32_0 = arith.constant 0 : i32
    %c0_i32_1 = arith.constant 0 : i32
    return %c0_i32, %c0_i32_0 : i32, i32
  }
}

module attributes {stable_mosaic.version = 14 : i64} {
  func.func @_c2_body(%arg0: i32, %arg1: memref<1x1024x64xf32, #tpu.memory_space<vmem>>, %arg2: memref<2x64xf32, #tpu.memory_space<vmem>>, %arg3: memref<1x1024x64xf32, #tpu.memory_space<vmem>>, %arg4: memref<1x1024x1xf32, #tpu.memory_space<vmem>>) attributes {dimension_semantics = [#tpu.dimension_semantics<arbitrary>], iteration_bounds = array<i64: 8>, scalar_prefetch = 0 : i64, scratch_operands = 0 : i64, tpu.core_type = #tpu.core_type<tc>, window_params = [{transform_indices = @transform_0, window_bounds = array<i64: 1, 1024, 64>}, {pipeline_mode = #tpu.pipeline_mode<synchronous>, transform_indices = @transform_1, window_bounds = array<i64: 2, 64>}, {transform_indices = @transform_2, window_bounds = array<i64: 1, 1024, 64>}, {transform_indices = @transform_3, window_bounds = array<i64: 1, 1024, 1>}]} {
    %get3A = arith.constant 0 : index
    %get3A_0 = arith.constant 0 : index
    %get3A_1 = arith.constant 0 : index
    %get3A_2 = vector.load %arg1[%get3A, %get3A_0, %get3A_1] : memref<1x1024x64xf32, #tpu.memory_space<vmem>>, vector<1x1024x64xf32>
    %get3A_3 = vector.shape_cast %get3A_2 : vector<1x1024x64xf32> to vector<1024x64xf32>
    %get3A_4 = arith.constant 0 : index
    %get3A_5 = arith.constant 0 : index
    %get3A_6 = vector.load %arg2[%get3A_4, %get3A_5] : memref<2x64xf32, #tpu.memory_space<vmem>>, vector<1x64xf32>
    %sub3A = vector.broadcast %get3A_6 : vector<1x64xf32> to vector<1024x64xf32>
    %sub3A_7 = arith.subf %get3A_3, %sub3A : vector<1024x64xf32>
    %get3A_8 = arith.constant 1 : index
    %get3A_9 = arith.constant 0 : index
    %get3A_10 = vector.load %arg2[%get3A_8, %get3A_9] : memref<2x64xf32, #tpu.memory_space<vmem>>, vector<1x64xf32>
    %mul3A = vector.broadcast %get3A_10 : vector<1x64xf32> to vector<1024x64xf32>
    %mul3A_11 = arith.mulf %sub3A_7, %mul3A : vector<1024x64xf32>
    %ge3A = arith.constant 0.000000e+00 : f32
    %ge3A_12 = vector.broadcast %ge3A : f32 to vector<1024x64xf32>
    %ge3A_13 = arith.cmpf oge, %mul3A_11, %ge3A_12 : vector<1024x64xf32>
    %mul3A_14 = arith.constant 2.000000e-01 : f32
    %mul3A_15 = vector.broadcast %mul3A_14 : f32 to vector<1024x64xf32>
    %mul3A_16 = arith.mulf %mul3A_15, %mul3A_11 : vector<1024x64xf32>
    %select_n3A = arith.select %ge3A_13, %mul3A_11, %mul3A_16 : vector<1024x64xi1>, vector<1024x64xf32>
    %swap3A = arith.constant 0 : index
    %swap3A_17 = arith.constant 0 : index
    %swap3A_18 = arith.constant 0 : index
    %swap3A_19 = vector.load %arg3[%swap3A, %swap3A_17, %swap3A_18] : memref<1x1024x64xf32, #tpu.memory_space<vmem>>, vector<1x1024x64xf32>
    %swap3A_20 = vector.shape_cast %swap3A_19 : vector<1x1024x64xf32> to vector<1024x64xf32>
    %swap3A_21 = vector.shape_cast %select_n3A : vector<1024x64xf32> to vector<1x1024x64xf32>
    tpu.vector_store %arg3[%swap3A, %swap3A_17, %swap3A_18], %swap3A_21 {strides = array<i32>} : memref<1x1024x64xf32, #tpu.memory_space<vmem>>, vector<1x1024x64xf32>,
    %mul3A_22 = arith.mulf %select_n3A, %select_n3A : vector<1024x64xf32>
    %reduce_sum3A = arith.constant dense<0.000000e+00> : vector<1024xf32>
    %reduce_sum3A_23 = vector.multi_reduction <add>, %mul3A_22, %reduce_sum3A [1] : vector<1024x64xf32> to vector<1024xf32>
    %broadcast_in_dim3A = vector.shape_cast %reduce_sum3A_23 : vector<1024xf32> to vector<1024x1xf32>
    %swap3A_24 = arith.constant 0 : index
    %swap3A_25 = arith.constant 0 : index
    %swap3A_26 = arith.constant 0 : index
    %swap3A_27 = vector.load %arg4[%swap3A_24, %swap3A_25, %swap3A_26] : memref<1x1024x1xf32, #tpu.memory_space<vmem>>, vector<1x1024x1xf32>
    %swap3A_28 = vector.shape_cast %swap3A_27 : vector<1x1024x1xf32> to vector<1024x1xf32>
    %swap3A_29 = vector.shape_cast %broadcast_in_dim3A : vector<1024x1xf32> to vector<1x1024x1xf32>
    tpu.vector_store %arg4[%swap3A_24, %swap3A_25, %swap3A_26], %swap3A_29 {strides = array<i32>} : memref<1x1024x1xf32, #tpu.memory_space<vmem>>, vector<1x1024x1xf32>,
    return
  }
  func.func @transform_0(%arg0: i32) -> (i32, i32, i32) {
    %c0_i32 = arith.constant 0 : i32
    %c0_i32_0 = arith.constant 0 : i32
    %c0_i32_1 = arith.constant 0 : i32
    return %arg0, %c0_i32, %c0_i32_0 : i32, i32, i32
  }
  func.func @transform_1(%arg0: i32) -> (i32, i32) {
    %c0_i32 = arith.constant 0 : i32
    %c0_i32_0 = arith.constant 0 : i32
    %c0_i32_1 = arith.constant 0 : i32
    return %c0_i32, %c0_i32_0 : i32, i32
  }
  func.func @transform_2(%arg0: i32) -> (i32, i32, i32) {
    %c0_i32 = arith.constant 0 : i32
    %c0_i32_0 = arith.constant 0 : i32
    %c0_i32_1 = arith.constant 0 : i32
    return %arg0, %c0_i32, %c0_i32_0 : i32, i32, i32
  }
  func.func @transform_3(%arg0: i32) -> (i32, i32, i32) {
    %c0_i32 = arith.constant 0 : i32
    %c0_i32_0 = arith.constant 0 : i32
    %c0_i32_1 = arith.constant 0 : i32
    return %arg0, %c0_i32, %c0_i32_0 : i32, i32, i32
  }
}

module attributes {stable_mosaic.version = 14 : i64} {
  func.func @_c1_body(%arg0: i32, %arg1: i32, %arg2: memref<1x1x1024x64xf32, #tpu.memory_space<vmem>>, %arg3: memref<1x1024x64xf32, #tpu.memory_space<vmem>>, %arg4: memref<64x128xf32, #tpu.memory_space<vmem>>, %arg5: memref<64x128xf32, #tpu.memory_space<vmem>>, %arg6: memref<1x1024x128xf32, #tpu.memory_space<vmem>>, %arg7: memref<2x128xf32, #tpu.memory_space<vmem>>, %arg8: memref<1024x128xf32, #tpu.memory_space<vmem>>, %arg9: memref<2x128xf32, #tpu.memory_space<vmem>>) attributes {dimension_semantics = [#tpu.dimension_semantics<arbitrary>, #tpu.dimension_semantics<arbitrary>], iteration_bounds = array<i64: 8, 20>, scalar_prefetch = 0 : i64, scratch_operands = 2 : i64, tpu.core_type = #tpu.core_type<tc>, window_params = [{transform_indices = @transform_0, window_bounds = array<i64: 1, 1, 1024, 64>}, {transform_indices = @transform_1, window_bounds = array<i64: 1, 1024, 64>}, {pipeline_mode = #tpu.pipeline_mode<synchronous>, transform_indices = @transform_2, window_bounds = array<i64: 64, 128>}, {pipeline_mode = #tpu.pipeline_mode<synchronous>, transform_indices = @transform_3, window_bounds = array<i64: 64, 128>}, {transform_indices = @transform_4, window_bounds = array<i64: 1, 1024, 128>}, {pipeline_mode = #tpu.pipeline_mode<synchronous>, transform_indices = @transform_5, window_bounds = array<i64: 2, 128>}]} {
    %get3A = arith.constant 0 : index
    %get3A_0 = arith.constant 0 : index
    %get3A_1 = arith.constant 0 : index
    %get3A_2 = vector.load %arg3[%get3A, %get3A_0, %get3A_1] : memref<1x1024x64xf32, #tpu.memory_space<vmem>>, vector<1x1024x64xf32>
    %get3A_3 = vector.shape_cast %get3A_2 : vector<1x1024x64xf32> to vector<1024x64xf32>
    %get3A_4 = arith.constant 0 : index
    %get3A_5 = arith.constant 0 : index
    %get3A_6 = arith.constant 0 : index
    %get3A_7 = arith.constant 0 : index
    %get3A_8 = vector.load %arg2[%get3A_4, %get3A_5, %get3A_6, %get3A_7] : memref<1x1x1024x64xf32, #tpu.memory_space<vmem>>, vector<1x1x1024x64xf32>
    %get3A_9 = vector.shape_cast %get3A_8 : vector<1x1x1024x64xf32> to vector<1024x64xf32>
    %sub3A = arith.subf %get3A_9, %get3A_3 : vector<1024x64xf32>
    %convert_element_type3A = arith.truncf %sub3A : vector<1024x64xf32> to vector<1024x64xbf16>
    %get3A_10 = arith.constant 0 : index
    %get3A_11 = arith.constant 0 : index
    %get3A_12 = vector.load %arg4[%get3A_10, %get3A_11] : memref<64x128xf32, #tpu.memory_space<vmem>>, vector<64x128xf32>
    %convert_element_type3A_13 = arith.truncf %get3A_12 : vector<64x128xf32> to vector<64x128xbf16>
    %dot_general3A = arith.constant dense<0.000000e+00> : vector<1024x128xf32>
    %dot_general3A_14 = tpu.matmul %convert_element_type3A, %convert_element_type3A_13, %dot_general3A {dimension_numbers = #tpu.dot_dimension_numbers<[1], [0], [0], [1], [0, 0, 1, 1], [], []>, transpose_lhs_hint = false} : vector<1024x64xbf16>, vector<64x128xbf16>, vector<1024x128xf32> -> vector<1024x128xf32>
    %convert_element_type3A_15 = arith.truncf %get3A_3 : vector<1024x64xf32> to vector<1024x64xbf16>
    %get3A_16 = arith.constant 0 : index
    %get3A_17 = arith.constant 0 : index
    %get3A_18 = vector.load %arg5[%get3A_16, %get3A_17] : memref<64x128xf32, #tpu.memory_space<vmem>>, vector<64x128xf32>
    %convert_element_type3A_19 = arith.truncf %get3A_18 : vector<64x128xf32> to vector<64x128xbf16>
    %dot_general3A_20 = arith.constant dense<0.000000e+00> : vector<1024x128xf32>
    %dot_general3A_21 = tpu.matmul %convert_element_type3A_15, %convert_element_type3A_19, %dot_general3A_20 {dimension_numbers = #tpu.dot_dimension_numbers<[1], [0], [0], [1], [0, 0, 1, 1], [], []>, transpose_lhs_hint = false} : vector<1024x64xbf16>, vector<64x128xbf16>, vector<1024x128xf32> -> vector<1024x128xf32>
    %add3A = arith.addf %dot_general3A_14, %dot_general3A_21 : vector<1024x128xf32>
    %mul3A = arith.constant 20 : i32
    %mul3A_22 = arith.muli %arg0, %mul3A : i32
    %add3A_23 = arith.addi %mul3A_22, %arg1 : i32
    %eq3A = arith.constant 0 : i32
    %eq3A_24 = arith.cmpi eq, %add3A_23, %eq3A : i32
    %convert_element_type3A_25 = arith.extui %eq3A_24 : i1 to i32
    %cond3A = arith.constant 0 : i32
    %cond3A_26 = arith.cmpi ne, %convert_element_type3A_25, %cond3A : i32
    scf.if %cond3A_26 {
      %broadcast_in_dim3A_66 = arith.constant 0.000000e+00 : f32
      %broadcast_in_dim3A_67 = vector.broadcast %broadcast_in_dim3A_66 : f32 to vector<2x128xf32>
      %swap3A_68 = arith.constant 0 : index
      %swap3A_69 = arith.constant 0 : index
      %swap3A_70 = vector.load %arg9[%swap3A_68, %swap3A_69] : memref<2x128xf32, #tpu.memory_space<vmem>>, vector<2x128xf32>
      tpu.vector_store %arg9[%swap3A_68, %swap3A_69], %broadcast_in_dim3A_67 {strides = array<i32>} : memref<2x128xf32, #tpu.memory_space<vmem>>, vector<2x128xf32>,
    } else {
    }
    %eq3A_27 = arith.constant 0 : i32
    %eq3A_28 = arith.cmpi eq, %arg1, %eq3A_27 : i32
    %convert_element_type3A_29 = arith.extui %eq3A_28 : i1 to i32
    %cond3A_30 = arith.constant 0 : i32
    %cond3A_31 = arith.cmpi ne, %convert_element_type3A_29, %cond3A_30 : i32
    scf.if %cond3A_31 {
      %broadcast_in_dim3A_66 = arith.constant 0xFF800000 : f32
      %broadcast_in_dim3A_67 = vector.broadcast %broadcast_in_dim3A_66 : f32 to vector<1024x128xf32>
      %swap3A_68 = arith.constant 0 : index
      %swap3A_69 = arith.constant 0 : index
      %swap3A_70 = vector.load %arg8[%swap3A_68, %swap3A_69] : memref<1024x128xf32, #tpu.memory_space<vmem>>, vector<1024x128xf32>
      tpu.vector_store %arg8[%swap3A_68, %swap3A_69], %broadcast_in_dim3A_67 {strides = array<i32>} : memref<1024x128xf32, #tpu.memory_space<vmem>>, vector<1024x128xf32>,
    } else {
    }
    %get3A_32 = arith.constant 0 : index
    %get3A_33 = arith.constant 0 : index
    %get3A_34 = vector.load %arg9[%get3A_32, %get3A_33] : memref<2x128xf32, #tpu.memory_space<vmem>>, vector<1x128xf32>
    %reduce_sum3A = arith.constant dense<0.000000e+00> : vector<128xf32>
    %reduce_sum3A_35 = vector.multi_reduction <add>, %add3A, %reduce_sum3A [0] : vector<1024x128xf32> to vector<128xf32>
    %broadcast_in_dim3A = vector.shape_cast %reduce_sum3A_35 : vector<128xf32> to vector<1x128xf32>
    %add3A_36 = arith.addf %get3A_34, %broadcast_in_dim3A : vector<1x128xf32>
    %swap3A = arith.constant 0 : index
    %swap3A_37 = arith.constant 0 : index
    %swap3A_38 = vector.load %arg9[%swap3A, %swap3A_37] : memref<2x128xf32, #tpu.memory_space<vmem>>, vector<1x128xf32>
    tpu.vector_store %arg9[%swap3A, %swap3A_37], %add3A_36 {strides = array<i32>} : memref<2x128xf32, #tpu.memory_space<vmem>>, vector<1x128xf32>,
    %get3A_39 = arith.constant 1 : index
    %get3A_40 = arith.constant 0 : index
    %get3A_41 = vector.load %arg9[%get3A_39, %get3A_40] : memref<2x128xf32, #tpu.memory_space<vmem>>, vector<1x128xf32>
    %mul3A_42 = arith.mulf %add3A, %add3A : vector<1024x128xf32>
    %reduce_sum3A_43 = arith.constant dense<0.000000e+00> : vector<128xf32>
    %reduce_sum3A_44 = vector.multi_reduction <add>, %mul3A_42, %reduce_sum3A_43 [0] : vector<1024x128xf32> to vector<128xf32>
    %broadcast_in_dim3A_45 = vector.shape_cast %reduce_sum3A_44 : vector<128xf32> to vector<1x128xf32>
    %add3A_46 = arith.addf %get3A_41, %broadcast_in_dim3A_45 : vector<1x128xf32>
    %swap3A_47 = arith.constant 1 : index
    %swap3A_48 = arith.constant 0 : index
    %swap3A_49 = vector.load %arg9[%swap3A_47, %swap3A_48] : memref<2x128xf32, #tpu.memory_space<vmem>>, vector<1x128xf32>
    tpu.vector_store %arg9[%swap3A_47, %swap3A_48], %add3A_46 {strides = array<i32>} : memref<2x128xf32, #tpu.memory_space<vmem>>, vector<1x128xf32>,
    %get3A_50 = arith.constant 0 : index
    %get3A_51 = arith.constant 0 : index
    %get3A_52 = vector.load %arg8[%get3A_50, %get3A_51] : memref<1024x128xf32, #tpu.memory_space<vmem>>, vector<1024x128xf32>
    %max3A = arith.maximumf %get3A_52, %add3A : vector<1024x128xf32>
    %swap3A_53 = arith.constant 0 : index
    %swap3A_54 = arith.constant 0 : index
    %swap3A_55 = vector.load %arg8[%swap3A_53, %swap3A_54] : memref<1024x128xf32, #tpu.memory_space<vmem>>, vector<1024x128xf32>
    tpu.vector_store %arg8[%swap3A_53, %swap3A_54], %max3A {strides = array<i32>} : memref<1024x128xf32, #tpu.memory_space<vmem>>, vector<1024x128xf32>,
    %eq3A_56 = arith.constant 19 : i32
    %eq3A_57 = arith.cmpi eq, %arg1, %eq3A_56 : i32
    %convert_element_type3A_58 = arith.extui %eq3A_57 : i1 to i32
    %cond3A_59 = arith.constant 0 : i32
    %cond3A_60 = arith.cmpi ne, %convert_element_type3A_58, %cond3A_59 : i32
    scf.if %cond3A_60 {
      %get3A_66 = arith.constant 0 : index
      %get3A_67 = arith.constant 0 : index
      %get3A_68 = vector.load %arg8[%get3A_66, %get3A_67] : memref<1024x128xf32, #tpu.memory_space<vmem>>, vector<1024x128xf32>
      %swap3A_69 = arith.constant 0 : index
      %swap3A_70 = arith.constant 0 : index
      %swap3A_71 = arith.constant 0 : index
      %swap3A_72 = vector.load %arg6[%swap3A_69, %swap3A_70, %swap3A_71] : memref<1x1024x128xf32, #tpu.memory_space<vmem>>, vector<1x1024x128xf32>
      %swap3A_73 = vector.shape_cast %swap3A_72 : vector<1x1024x128xf32> to vector<1024x128xf32>
      %swap3A_74 = vector.shape_cast %get3A_68 : vector<1024x128xf32> to vector<1x1024x128xf32>
      tpu.vector_store %arg6[%swap3A_69, %swap3A_70, %swap3A_71], %swap3A_74 {strides = array<i32>} : memref<1x1024x128xf32, #tpu.memory_space<vmem>>, vector<1x1024x128xf32>,
    } else {
    }
    %eq3A_61 = arith.constant 159 : i32
    %eq3A_62 = arith.cmpi eq, %add3A_23, %eq3A_61 : i32
    %convert_element_type3A_63 = arith.extui %eq3A_62 : i1 to i32
    %cond3A_64 = arith.constant 0 : i32
    %cond3A_65 = arith.cmpi ne, %convert_element_type3A_63, %cond3A_64 : i32
    scf.if %cond3A_65 {
      %get3A_66 = arith.constant 0 : index
      %get3A_67 = arith.constant 0 : index
      %get3A_68 = vector.load %arg9[%get3A_66, %get3A_67] : memref<2x128xf32, #tpu.memory_space<vmem>>, vector<1x128xf32>
      %div3A = arith.constant 1.638400e+05 : f32
      %div3A_69 = vector.broadcast %div3A : f32 to vector<1x128xf32>
      %div3A_70 = arith.divf %get3A_68, %div3A_69 : vector<1x128xf32>
      %get3A_71 = arith.constant 1 : index
      %get3A_72 = arith.constant 0 : index
      %get3A_73 = vector.load %arg9[%get3A_71, %get3A_72] : memref<2x128xf32, #tpu.memory_space<vmem>>, vector<1x128xf32>
      %div3A_74 = arith.constant 1.638400e+05 : f32
      %div3A_75 = vector.broadcast %div3A_74 : f32 to vector<1x128xf32>
      %div3A_76 = arith.divf %get3A_73, %div3A_75 : vector<1x128xf32>
      %mul3A_77 = arith.mulf %div3A_70, %div3A_70 : vector<1x128xf32>
      %sub3A_78 = arith.subf %div3A_76, %mul3A_77 : vector<1x128xf32>
      %swap3A_79 = arith.constant 0 : index
      %swap3A_80 = arith.constant 0 : index
      %swap3A_81 = vector.load %arg7[%swap3A_79, %swap3A_80] : memref<2x128xf32, #tpu.memory_space<vmem>>, vector<1x128xf32>
      tpu.vector_store %arg7[%swap3A_79, %swap3A_80], %div3A_70 {strides = array<i32>} : memref<2x128xf32, #tpu.memory_space<vmem>>, vector<1x128xf32>,
      %add3A_82 = arith.constant 9.99999974E-6 : f32
      %add3A_83 = vector.broadcast %add3A_82 : f32 to vector<1x128xf32>
      %add3A_84 = arith.addf %sub3A_78, %add3A_83 : vector<1x128xf32>
      %rsqrt3A = math.rsqrt %add3A_84 : vector<1x128xf32>
      %swap3A_85 = arith.constant 1 : index
      %swap3A_86 = arith.constant 0 : index
      %swap3A_87 = vector.load %arg7[%swap3A_85, %swap3A_86] : memref<2x128xf32, #tpu.memory_space<vmem>>, vector<1x128xf32>
      tpu.vector_store %arg7[%swap3A_85, %swap3A_86], %rsqrt3A {strides = array<i32>} : memref<2x128xf32, #tpu.memory_space<vmem>>, vector<1x128xf32>,
    } else {
    }
    return
  }
  func.func @transform_0(%arg0: i32, %arg1: i32) -> (i32, i32, i32, i32) {
    %c0_i32 = arith.constant 0 : i32
    %c0_i32_0 = arith.constant 0 : i32
    %c0_i32_1 = arith.constant 0 : i32
    return %arg0, %arg1, %c0_i32, %c0_i32_0 : i32, i32, i32, i32
  }
  func.func @transform_1(%arg0: i32, %arg1: i32) -> (i32, i32, i32) {
    %c0_i32 = arith.constant 0 : i32
    %c0_i32_0 = arith.constant 0 : i32
    %c0_i32_1 = arith.constant 0 : i32
    return %arg0, %c0_i32, %c0_i32_0 : i32, i32, i32
  }
  func.func @transform_2(%arg0: i32, %arg1: i32) -> (i32, i32) {
    %c0_i32 = arith.constant 0 : i32
    %c0_i32_0 = arith.constant 0 : i32
    %c0_i32_1 = arith.constant 0 : i32
    return %c0_i32, %c0_i32_0 : i32, i32
  }
  func.func @transform_3(%arg0: i32, %arg1: i32) -> (i32, i32) {
    %c0_i32 = arith.constant 0 : i32
    %c0_i32_0 = arith.constant 0 : i32
    %c0_i32_1 = arith.constant 0 : i32
    return %c0_i32, %c0_i32_0 : i32, i32
  }
  func.func @transform_4(%arg0: i32, %arg1: i32) -> (i32, i32, i32) {
    %c0_i32 = arith.constant 0 : i32
    %c0_i32_0 = arith.constant 0 : i32
    %c0_i32_1 = arith.constant 0 : i32
    return %arg0, %c0_i32, %c0_i32_0 : i32, i32, i32
  }
  func.func @transform_5(%arg0: i32, %arg1: i32) -> (i32, i32) {
    %c0_i32 = arith.constant 0 : i32
    %c0_i32_0 = arith.constant 0 : i32
    %c0_i32_1 = arith.constant 0 : i32
    return %c0_i32, %c0_i32_0 : i32, i32
  }
}

module attributes {stable_mosaic.version = 14 : i64} {
  func.func @_c2_body(%arg0: i32, %arg1: memref<1x1024x128xf32, #tpu.memory_space<vmem>>, %arg2: memref<2x128xf32, #tpu.memory_space<vmem>>, %arg3: memref<1x1024x128xf32, #tpu.memory_space<vmem>>, %arg4: memref<1x1024x1xf32, #tpu.memory_space<vmem>>) attributes {dimension_semantics = [#tpu.dimension_semantics<arbitrary>], iteration_bounds = array<i64: 8>, scalar_prefetch = 0 : i64, scratch_operands = 0 : i64, tpu.core_type = #tpu.core_type<tc>, window_params = [{transform_indices = @transform_0, window_bounds = array<i64: 1, 1024, 128>}, {pipeline_mode = #tpu.pipeline_mode<synchronous>, transform_indices = @transform_1, window_bounds = array<i64: 2, 128>}, {transform_indices = @transform_2, window_bounds = array<i64: 1, 1024, 128>}, {transform_indices = @transform_3, window_bounds = array<i64: 1, 1024, 1>}]} {
    %get3A = arith.constant 0 : index
    %get3A_0 = arith.constant 0 : index
    %get3A_1 = arith.constant 0 : index
    %get3A_2 = vector.load %arg1[%get3A, %get3A_0, %get3A_1] : memref<1x1024x128xf32, #tpu.memory_space<vmem>>, vector<1x1024x128xf32>
    %get3A_3 = vector.shape_cast %get3A_2 : vector<1x1024x128xf32> to vector<1024x128xf32>
    %get3A_4 = arith.constant 0 : index
    %get3A_5 = arith.constant 0 : index
    %get3A_6 = vector.load %arg2[%get3A_4, %get3A_5] : memref<2x128xf32, #tpu.memory_space<vmem>>, vector<1x128xf32>
    %sub3A = vector.broadcast %get3A_6 : vector<1x128xf32> to vector<1024x128xf32>
    %sub3A_7 = arith.subf %get3A_3, %sub3A : vector<1024x128xf32>
    %get3A_8 = arith.constant 1 : index
    %get3A_9 = arith.constant 0 : index
    %get3A_10 = vector.load %arg2[%get3A_8, %get3A_9] : memref<2x128xf32, #tpu.memory_space<vmem>>, vector<1x128xf32>
    %mul3A = vector.broadcast %get3A_10 : vector<1x128xf32> to vector<1024x128xf32>
    %mul3A_11 = arith.mulf %sub3A_7, %mul3A : vector<1024x128xf32>
    %ge3A = arith.constant 0.000000e+00 : f32
    %ge3A_12 = vector.broadcast %ge3A : f32 to vector<1024x128xf32>
    %ge3A_13 = arith.cmpf oge, %mul3A_11, %ge3A_12 : vector<1024x128xf32>
    %mul3A_14 = arith.constant 2.000000e-01 : f32
    %mul3A_15 = vector.broadcast %mul3A_14 : f32 to vector<1024x128xf32>
    %mul3A_16 = arith.mulf %mul3A_15, %mul3A_11 : vector<1024x128xf32>
    %select_n3A = arith.select %ge3A_13, %mul3A_11, %mul3A_16 : vector<1024x128xi1>, vector<1024x128xf32>
    %swap3A = arith.constant 0 : index
    %swap3A_17 = arith.constant 0 : index
    %swap3A_18 = arith.constant 0 : index
    %swap3A_19 = vector.load %arg3[%swap3A, %swap3A_17, %swap3A_18] : memref<1x1024x128xf32, #tpu.memory_space<vmem>>, vector<1x1024x128xf32>
    %swap3A_20 = vector.shape_cast %swap3A_19 : vector<1x1024x128xf32> to vector<1024x128xf32>
    %swap3A_21 = vector.shape_cast %select_n3A : vector<1024x128xf32> to vector<1x1024x128xf32>
    tpu.vector_store %arg3[%swap3A, %swap3A_17, %swap3A_18], %swap3A_21 {strides = array<i32>} : memref<1x1024x128xf32, #tpu.memory_space<vmem>>, vector<1x1024x128xf32>,
    %mul3A_22 = arith.mulf %select_n3A, %select_n3A : vector<1024x128xf32>
    %reduce_sum3A = arith.constant dense<0.000000e+00> : vector<1024xf32>
    %reduce_sum3A_23 = vector.multi_reduction <add>, %mul3A_22, %reduce_sum3A [1] : vector<1024x128xf32> to vector<1024xf32>
    %broadcast_in_dim3A = vector.shape_cast %reduce_sum3A_23 : vector<1024xf32> to vector<1024x1xf32>
    %swap3A_24 = arith.constant 0 : index
    %swap3A_25 = arith.constant 0 : index
    %swap3A_26 = arith.constant 0 : index
    %swap3A_27 = vector.load %arg4[%swap3A_24, %swap3A_25, %swap3A_26] : memref<1x1024x1xf32, #tpu.memory_space<vmem>>, vector<1x1024x1xf32>
    %swap3A_28 = vector.shape_cast %swap3A_27 : vector<1x1024x1xf32> to vector<1024x1xf32>
    %swap3A_29 = vector.shape_cast %broadcast_in_dim3A : vector<1024x1xf32> to vector<1x1024x1xf32>
    tpu.vector_store %arg4[%swap3A_24, %swap3A_25, %swap3A_26], %swap3A_29 {strides = array<i32>} : memref<1x1024x1xf32, #tpu.memory_space<vmem>>, vector<1x1024x1xf32>,
    return
  }
  func.func @transform_0(%arg0: i32) -> (i32, i32, i32) {
    %c0_i32 = arith.constant 0 : i32
    %c0_i32_0 = arith.constant 0 : i32
    %c0_i32_1 = arith.constant 0 : i32
    return %arg0, %c0_i32, %c0_i32_0 : i32, i32, i32
  }
  func.func @transform_1(%arg0: i32) -> (i32, i32) {
    %c0_i32 = arith.constant 0 : i32
    %c0_i32_0 = arith.constant 0 : i32
    %c0_i32_1 = arith.constant 0 : i32
    return %c0_i32, %c0_i32_0 : i32, i32
  }
  func.func @transform_2(%arg0: i32) -> (i32, i32, i32) {
    %c0_i32 = arith.constant 0 : i32
    %c0_i32_0 = arith.constant 0 : i32
    %c0_i32_1 = arith.constant 0 : i32
    return %arg0, %c0_i32, %c0_i32_0 : i32, i32, i32
  }
  func.func @transform_3(%arg0: i32) -> (i32, i32, i32) {
    %c0_i32 = arith.constant 0 : i32
    %c0_i32_0 = arith.constant 0 : i32
    %c0_i32_1 = arith.constant 0 : i32
    return %arg0, %c0_i32, %c0_i32_0 : i32, i32, i32
  }
}

module attributes {stable_mosaic.version = 14 : i64} {
  func.func @_pd_body(%arg0: i32, %arg1: memref<1x1024x128xf32, #tpu.memory_space<vmem>>, %arg2: memref<1x1024x1xf32, #tpu.memory_space<vmem>>, %arg3: memref<1x1x1024xf32, #tpu.memory_space<vmem>>, %arg4: memref<1x1024x1024xf32, #tpu.memory_space<vmem>>) attributes {dimension_semantics = [#tpu.dimension_semantics<arbitrary>], iteration_bounds = array<i64: 8>, scalar_prefetch = 0 : i64, scratch_operands = 0 : i64, tpu.core_type = #tpu.core_type<tc>, window_params = [{transform_indices = @transform_0, window_bounds = array<i64: 1, 1024, 128>}, {transform_indices = @transform_1, window_bounds = array<i64: 1, 1024, 1>}, {transform_indices = @transform_2, window_bounds = array<i64: 1, 1, 1024>}, {transform_indices = @transform_3, window_bounds = array<i64: 1, 1024, 1024>}]} {
    %get3A = arith.constant 0 : index
    %get3A_0 = arith.constant 0 : index
    %get3A_1 = arith.constant 0 : index
    %get3A_2 = vector.load %arg1[%get3A, %get3A_0, %get3A_1] : memref<1x1024x128xf32, #tpu.memory_space<vmem>>, vector<1x1024x128xf32>
    %get3A_3 = vector.shape_cast %get3A_2 : vector<1x1024x128xf32> to vector<1024x128xf32>
    %convert_element_type3A = arith.truncf %get3A_3 : vector<1024x128xf32> to vector<1024x128xbf16>
    %dot_general3A = arith.constant dense<0.000000e+00> : vector<1024x1024xf32>
    %dot_general3A_4 = tpu.matmul %convert_element_type3A, %convert_element_type3A, %dot_general3A {dimension_numbers = #tpu.dot_dimension_numbers<[1], [1], [0], [0], [0, 0, 1, 0], [], []>, transpose_lhs_hint = false} : vector<1024x128xbf16>, vector<1024x128xbf16>, vector<1024x1024xf32> -> vector<1024x1024xf32>
    %mul3A = arith.constant -2.000000e+00 : f32
    %mul3A_5 = vector.broadcast %mul3A : f32 to vector<1024x1024xf32>
    %mul3A_6 = arith.mulf %mul3A_5, %dot_general3A_4 : vector<1024x1024xf32>
    %get3A_7 = arith.constant 0 : index
    %get3A_8 = arith.constant 0 : index
    %get3A_9 = arith.constant 0 : index
    %get3A_10 = vector.load %arg2[%get3A_7, %get3A_8, %get3A_9] : memref<1x1024x1xf32, #tpu.memory_space<vmem>>, vector<1x1024x1xf32>
    %get3A_11 = vector.shape_cast %get3A_10 : vector<1x1024x1xf32> to vector<1024x1xf32>
    %neg3A = arith.constant 0.000000e+00 : f32
    %neg3A_12 = vector.broadcast %neg3A : f32 to vector<1024x1xf32>
    %neg3A_13 = arith.subf %neg3A_12, %get3A_11 : vector<1024x1xf32>
    %sub3A = vector.broadcast %neg3A_13 : vector<1024x1xf32> to vector<1024x1024xf32>
    %sub3A_14 = arith.subf %sub3A, %mul3A_6 : vector<1024x1024xf32>
    %get3A_15 = arith.constant 0 : index
    %get3A_16 = arith.constant 0 : index
    %get3A_17 = arith.constant 0 : index
    %get3A_18 = vector.load %arg3[%get3A_15, %get3A_16, %get3A_17] : memref<1x1x1024xf32, #tpu.memory_space<vmem>>, vector<1x1x1024xf32>
    %get3A_19 = vector.shape_cast %get3A_18 : vector<1x1x1024xf32> to vector<1x1024xf32>
    %sub3A_20 = vector.broadcast %get3A_19 : vector<1x1024xf32> to vector<1024x1024xf32>
    %sub3A_21 = arith.subf %sub3A_14, %sub3A_20 : vector<1024x1024xf32>
    %swap3A = arith.constant 0 : index
    %swap3A_22 = arith.constant 0 : index
    %swap3A_23 = arith.constant 0 : index
    %swap3A_24 = vector.load %arg4[%swap3A, %swap3A_22, %swap3A_23] : memref<1x1024x1024xf32, #tpu.memory_space<vmem>>, vector<1x1024x1024xf32>
    %swap3A_25 = vector.shape_cast %swap3A_24 : vector<1x1024x1024xf32> to vector<1024x1024xf32>
    %swap3A_26 = vector.shape_cast %sub3A_21 : vector<1024x1024xf32> to vector<1x1024x1024xf32>
    tpu.vector_store %arg4[%swap3A, %swap3A_22, %swap3A_23], %swap3A_26 {strides = array<i32>} : memref<1x1024x1024xf32, #tpu.memory_space<vmem>>, vector<1x1024x1024xf32>,
    return
  }
  func.func @transform_0(%arg0: i32) -> (i32, i32, i32) {
    %c0_i32 = arith.constant 0 : i32
    %c0_i32_0 = arith.constant 0 : i32
    %c0_i32_1 = arith.constant 0 : i32
    return %arg0, %c0_i32, %c0_i32_0 : i32, i32, i32
  }
  func.func @transform_1(%arg0: i32) -> (i32, i32, i32) {
    %c0_i32 = arith.constant 0 : i32
    %c0_i32_0 = arith.constant 0 : i32
    %c0_i32_1 = arith.constant 0 : i32
    return %arg0, %c0_i32, %c0_i32_0 : i32, i32, i32
  }
  func.func @transform_2(%arg0: i32) -> (i32, i32, i32) {
    %c0_i32 = arith.constant 0 : i32
    %c0_i32_0 = arith.constant 0 : i32
    %c0_i32_1 = arith.constant 0 : i32
    return %arg0, %c0_i32, %c0_i32_0 : i32, i32, i32
  }
  func.func @transform_3(%arg0: i32) -> (i32, i32, i32) {
    %c0_i32 = arith.constant 0 : i32
    %c0_i32_0 = arith.constant 0 : i32
    %c0_i32_1 = arith.constant 0 : i32
    return %arg0, %c0_i32, %c0_i32_0 : i32, i32, i32
  }
}

module attributes {stable_mosaic.version = 14 : i64} {
  func.func @_c1_body(%arg0: i32, %arg1: i32, %arg2: memref<1x1x1024x128xf32, #tpu.memory_space<vmem>>, %arg3: memref<1x1024x128xf32, #tpu.memory_space<vmem>>, %arg4: memref<128x256xf32, #tpu.memory_space<vmem>>, %arg5: memref<128x256xf32, #tpu.memory_space<vmem>>, %arg6: memref<1x1024x256xf32, #tpu.memory_space<vmem>>, %arg7: memref<2x256xf32, #tpu.memory_space<vmem>>, %arg8: memref<1024x256xf32, #tpu.memory_space<vmem>>, %arg9: memref<2x256xf32, #tpu.memory_space<vmem>>) attributes {dimension_semantics = [#tpu.dimension_semantics<arbitrary>, #tpu.dimension_semantics<arbitrary>], iteration_bounds = array<i64: 8, 20>, scalar_prefetch = 0 : i64, scratch_operands = 2 : i64, tpu.core_type = #tpu.core_type<tc>, window_params = [{transform_indices = @transform_0, window_bounds = array<i64: 1, 1, 1024, 128>}, {transform_indices = @transform_1, window_bounds = array<i64: 1, 1024, 128>}, {pipeline_mode = #tpu.pipeline_mode<synchronous>, transform_indices = @transform_2, window_bounds = array<i64: 128, 256>}, {pipeline_mode = #tpu.pipeline_mode<synchronous>, transform_indices = @transform_3, window_bounds = array<i64: 128, 256>}, {transform_indices = @transform_4, window_bounds = array<i64: 1, 1024, 256>}, {pipeline_mode = #tpu.pipeline_mode<synchronous>, transform_indices = @transform_5, window_bounds = array<i64: 2, 256>}]} {
    %get3A = arith.constant 0 : index
    %get3A_0 = arith.constant 0 : index
    %get3A_1 = arith.constant 0 : index
    %get3A_2 = vector.load %arg3[%get3A, %get3A_0, %get3A_1] : memref<1x1024x128xf32, #tpu.memory_space<vmem>>, vector<1x1024x128xf32>
    %get3A_3 = vector.shape_cast %get3A_2 : vector<1x1024x128xf32> to vector<1024x128xf32>
    %get3A_4 = arith.constant 0 : index
    %get3A_5 = arith.constant 0 : index
    %get3A_6 = arith.constant 0 : index
    %get3A_7 = arith.constant 0 : index
    %get3A_8 = vector.load %arg2[%get3A_4, %get3A_5, %get3A_6, %get3A_7] : memref<1x1x1024x128xf32, #tpu.memory_space<vmem>>, vector<1x1x1024x128xf32>
    %get3A_9 = vector.shape_cast %get3A_8 : vector<1x1x1024x128xf32> to vector<1024x128xf32>
    %sub3A = arith.subf %get3A_9, %get3A_3 : vector<1024x128xf32>
    %convert_element_type3A = arith.truncf %sub3A : vector<1024x128xf32> to vector<1024x128xbf16>
    %get3A_10 = arith.constant 0 : index
    %get3A_11 = arith.constant 0 : index
    %get3A_12 = vector.load %arg4[%get3A_10, %get3A_11] : memref<128x256xf32, #tpu.memory_space<vmem>>, vector<128x256xf32>
    %convert_element_type3A_13 = arith.truncf %get3A_12 : vector<128x256xf32> to vector<128x256xbf16>
    %dot_general3A = arith.constant dense<0.000000e+00> : vector<1024x256xf32>
    %dot_general3A_14 = tpu.matmul %convert_element_type3A, %convert_element_type3A_13, %dot_general3A {dimension_numbers = #tpu.dot_dimension_numbers<[1], [0], [0], [1], [0, 0, 1, 1], [], []>, transpose_lhs_hint = false} : vector<1024x128xbf16>, vector<128x256xbf16>, vector<1024x256xf32> -> vector<1024x256xf32>
    %convert_element_type3A_15 = arith.truncf %get3A_3 : vector<1024x128xf32> to vector<1024x128xbf16>
    %get3A_16 = arith.constant 0 : index
    %get3A_17 = arith.constant 0 : index
    %get3A_18 = vector.load %arg5[%get3A_16, %get3A_17] : memref<128x256xf32, #tpu.memory_space<vmem>>, vector<128x256xf32>
    %convert_element_type3A_19 = arith.truncf %get3A_18 : vector<128x256xf32> to vector<128x256xbf16>
    %dot_general3A_20 = arith.constant dense<0.000000e+00> : vector<1024x256xf32>
    %dot_general3A_21 = tpu.matmul %convert_element_type3A_15, %convert_element_type3A_19, %dot_general3A_20 {dimension_numbers = #tpu.dot_dimension_numbers<[1], [0], [0], [1], [0, 0, 1, 1], [], []>, transpose_lhs_hint = false} : vector<1024x128xbf16>, vector<128x256xbf16>, vector<1024x256xf32> -> vector<1024x256xf32>
    %add3A = arith.addf %dot_general3A_14, %dot_general3A_21 : vector<1024x256xf32>
    %mul3A = arith.constant 20 : i32
    %mul3A_22 = arith.muli %arg0, %mul3A : i32
    %add3A_23 = arith.addi %mul3A_22, %arg1 : i32
    %eq3A = arith.constant 0 : i32
    %eq3A_24 = arith.cmpi eq, %add3A_23, %eq3A : i32
    %convert_element_type3A_25 = arith.extui %eq3A_24 : i1 to i32
    %cond3A = arith.constant 0 : i32
    %cond3A_26 = arith.cmpi ne, %convert_element_type3A_25, %cond3A : i32
    scf.if %cond3A_26 {
      %broadcast_in_dim3A_66 = arith.constant 0.000000e+00 : f32
      %broadcast_in_dim3A_67 = vector.broadcast %broadcast_in_dim3A_66 : f32 to vector<2x256xf32>
      %swap3A_68 = arith.constant 0 : index
      %swap3A_69 = arith.constant 0 : index
      %swap3A_70 = vector.load %arg9[%swap3A_68, %swap3A_69] : memref<2x256xf32, #tpu.memory_space<vmem>>, vector<2x256xf32>
      tpu.vector_store %arg9[%swap3A_68, %swap3A_69], %broadcast_in_dim3A_67 {strides = array<i32>} : memref<2x256xf32, #tpu.memory_space<vmem>>, vector<2x256xf32>,
    } else {
    }
    %eq3A_27 = arith.constant 0 : i32
    %eq3A_28 = arith.cmpi eq, %arg1, %eq3A_27 : i32
    %convert_element_type3A_29 = arith.extui %eq3A_28 : i1 to i32
    %cond3A_30 = arith.constant 0 : i32
    %cond3A_31 = arith.cmpi ne, %convert_element_type3A_29, %cond3A_30 : i32
    scf.if %cond3A_31 {
      %broadcast_in_dim3A_66 = arith.constant 0xFF800000 : f32
      %broadcast_in_dim3A_67 = vector.broadcast %broadcast_in_dim3A_66 : f32 to vector<1024x256xf32>
      %swap3A_68 = arith.constant 0 : index
      %swap3A_69 = arith.constant 0 : index
      %swap3A_70 = vector.load %arg8[%swap3A_68, %swap3A_69] : memref<1024x256xf32, #tpu.memory_space<vmem>>, vector<1024x256xf32>
      tpu.vector_store %arg8[%swap3A_68, %swap3A_69], %broadcast_in_dim3A_67 {strides = array<i32>} : memref<1024x256xf32, #tpu.memory_space<vmem>>, vector<1024x256xf32>,
    } else {
    }
    %get3A_32 = arith.constant 0 : index
    %get3A_33 = arith.constant 0 : index
    %get3A_34 = vector.load %arg9[%get3A_32, %get3A_33] : memref<2x256xf32, #tpu.memory_space<vmem>>, vector<1x256xf32>
    %reduce_sum3A = arith.constant dense<0.000000e+00> : vector<256xf32>
    %reduce_sum3A_35 = vector.multi_reduction <add>, %add3A, %reduce_sum3A [0] : vector<1024x256xf32> to vector<256xf32>
    %broadcast_in_dim3A = vector.shape_cast %reduce_sum3A_35 : vector<256xf32> to vector<1x256xf32>
    %add3A_36 = arith.addf %get3A_34, %broadcast_in_dim3A : vector<1x256xf32>
    %swap3A = arith.constant 0 : index
    %swap3A_37 = arith.constant 0 : index
    %swap3A_38 = vector.load %arg9[%swap3A, %swap3A_37] : memref<2x256xf32, #tpu.memory_space<vmem>>, vector<1x256xf32>
    tpu.vector_store %arg9[%swap3A, %swap3A_37], %add3A_36 {strides = array<i32>} : memref<2x256xf32, #tpu.memory_space<vmem>>, vector<1x256xf32>,
    %get3A_39 = arith.constant 1 : index
    %get3A_40 = arith.constant 0 : index
    %get3A_41 = vector.load %arg9[%get3A_39, %get3A_40] : memref<2x256xf32, #tpu.memory_space<vmem>>, vector<1x256xf32>
    %mul3A_42 = arith.mulf %add3A, %add3A : vector<1024x256xf32>
    %reduce_sum3A_43 = arith.constant dense<0.000000e+00> : vector<256xf32>
    %reduce_sum3A_44 = vector.multi_reduction <add>, %mul3A_42, %reduce_sum3A_43 [0] : vector<1024x256xf32> to vector<256xf32>
    %broadcast_in_dim3A_45 = vector.shape_cast %reduce_sum3A_44 : vector<256xf32> to vector<1x256xf32>
    %add3A_46 = arith.addf %get3A_41, %broadcast_in_dim3A_45 : vector<1x256xf32>
    %swap3A_47 = arith.constant 1 : index
    %swap3A_48 = arith.constant 0 : index
    %swap3A_49 = vector.load %arg9[%swap3A_47, %swap3A_48] : memref<2x256xf32, #tpu.memory_space<vmem>>, vector<1x256xf32>
    tpu.vector_store %arg9[%swap3A_47, %swap3A_48], %add3A_46 {strides = array<i32>} : memref<2x256xf32, #tpu.memory_space<vmem>>, vector<1x256xf32>,
    %get3A_50 = arith.constant 0 : index
    %get3A_51 = arith.constant 0 : index
    %get3A_52 = vector.load %arg8[%get3A_50, %get3A_51] : memref<1024x256xf32, #tpu.memory_space<vmem>>, vector<1024x256xf32>
    %max3A = arith.maximumf %get3A_52, %add3A : vector<1024x256xf32>
    %swap3A_53 = arith.constant 0 : index
    %swap3A_54 = arith.constant 0 : index
    %swap3A_55 = vector.load %arg8[%swap3A_53, %swap3A_54] : memref<1024x256xf32, #tpu.memory_space<vmem>>, vector<1024x256xf32>
    tpu.vector_store %arg8[%swap3A_53, %swap3A_54], %max3A {strides = array<i32>} : memref<1024x256xf32, #tpu.memory_space<vmem>>, vector<1024x256xf32>,
    %eq3A_56 = arith.constant 19 : i32
    %eq3A_57 = arith.cmpi eq, %arg1, %eq3A_56 : i32
    %convert_element_type3A_58 = arith.extui %eq3A_57 : i1 to i32
    %cond3A_59 = arith.constant 0 : i32
    %cond3A_60 = arith.cmpi ne, %convert_element_type3A_58, %cond3A_59 : i32
    scf.if %cond3A_60 {
      %get3A_66 = arith.constant 0 : index
      %get3A_67 = arith.constant 0 : index
      %get3A_68 = vector.load %arg8[%get3A_66, %get3A_67] : memref<1024x256xf32, #tpu.memory_space<vmem>>, vector<1024x256xf32>
      %swap3A_69 = arith.constant 0 : index
      %swap3A_70 = arith.constant 0 : index
      %swap3A_71 = arith.constant 0 : index
      %swap3A_72 = vector.load %arg6[%swap3A_69, %swap3A_70, %swap3A_71] : memref<1x1024x256xf32, #tpu.memory_space<vmem>>, vector<1x1024x256xf32>
      %swap3A_73 = vector.shape_cast %swap3A_72 : vector<1x1024x256xf32> to vector<1024x256xf32>
      %swap3A_74 = vector.shape_cast %get3A_68 : vector<1024x256xf32> to vector<1x1024x256xf32>
      tpu.vector_store %arg6[%swap3A_69, %swap3A_70, %swap3A_71], %swap3A_74 {strides = array<i32>} : memref<1x1024x256xf32, #tpu.memory_space<vmem>>, vector<1x1024x256xf32>,
    } else {
    }
    %eq3A_61 = arith.constant 159 : i32
    %eq3A_62 = arith.cmpi eq, %add3A_23, %eq3A_61 : i32
    %convert_element_type3A_63 = arith.extui %eq3A_62 : i1 to i32
    %cond3A_64 = arith.constant 0 : i32
    %cond3A_65 = arith.cmpi ne, %convert_element_type3A_63, %cond3A_64 : i32
    scf.if %cond3A_65 {
      %get3A_66 = arith.constant 0 : index
      %get3A_67 = arith.constant 0 : index
      %get3A_68 = vector.load %arg9[%get3A_66, %get3A_67] : memref<2x256xf32, #tpu.memory_space<vmem>>, vector<1x256xf32>
      %div3A = arith.constant 1.638400e+05 : f32
      %div3A_69 = vector.broadcast %div3A : f32 to vector<1x256xf32>
      %div3A_70 = arith.divf %get3A_68, %div3A_69 : vector<1x256xf32>
      %get3A_71 = arith.constant 1 : index
      %get3A_72 = arith.constant 0 : index
      %get3A_73 = vector.load %arg9[%get3A_71, %get3A_72] : memref<2x256xf32, #tpu.memory_space<vmem>>, vector<1x256xf32>
      %div3A_74 = arith.constant 1.638400e+05 : f32
      %div3A_75 = vector.broadcast %div3A_74 : f32 to vector<1x256xf32>
      %div3A_76 = arith.divf %get3A_73, %div3A_75 : vector<1x256xf32>
      %mul3A_77 = arith.mulf %div3A_70, %div3A_70 : vector<1x256xf32>
      %sub3A_78 = arith.subf %div3A_76, %mul3A_77 : vector<1x256xf32>
      %swap3A_79 = arith.constant 0 : index
      %swap3A_80 = arith.constant 0 : index
      %swap3A_81 = vector.load %arg7[%swap3A_79, %swap3A_80] : memref<2x256xf32, #tpu.memory_space<vmem>>, vector<1x256xf32>
      tpu.vector_store %arg7[%swap3A_79, %swap3A_80], %div3A_70 {strides = array<i32>} : memref<2x256xf32, #tpu.memory_space<vmem>>, vector<1x256xf32>,
      %add3A_82 = arith.constant 9.99999974E-6 : f32
      %add3A_83 = vector.broadcast %add3A_82 : f32 to vector<1x256xf32>
      %add3A_84 = arith.addf %sub3A_78, %add3A_83 : vector<1x256xf32>
      %rsqrt3A = math.rsqrt %add3A_84 : vector<1x256xf32>
      %swap3A_85 = arith.constant 1 : index
      %swap3A_86 = arith.constant 0 : index
      %swap3A_87 = vector.load %arg7[%swap3A_85, %swap3A_86] : memref<2x256xf32, #tpu.memory_space<vmem>>, vector<1x256xf32>
      tpu.vector_store %arg7[%swap3A_85, %swap3A_86], %rsqrt3A {strides = array<i32>} : memref<2x256xf32, #tpu.memory_space<vmem>>, vector<1x256xf32>,
    } else {
    }
    return
  }
  func.func @transform_0(%arg0: i32, %arg1: i32) -> (i32, i32, i32, i32) {
    %c0_i32 = arith.constant 0 : i32
    %c0_i32_0 = arith.constant 0 : i32
    %c0_i32_1 = arith.constant 0 : i32
    return %arg0, %arg1, %c0_i32, %c0_i32_0 : i32, i32, i32, i32
  }
  func.func @transform_1(%arg0: i32, %arg1: i32) -> (i32, i32, i32) {
    %c0_i32 = arith.constant 0 : i32
    %c0_i32_0 = arith.constant 0 : i32
    %c0_i32_1 = arith.constant 0 : i32
    return %arg0, %c0_i32, %c0_i32_0 : i32, i32, i32
  }
  func.func @transform_2(%arg0: i32, %arg1: i32) -> (i32, i32) {
    %c0_i32 = arith.constant 0 : i32
    %c0_i32_0 = arith.constant 0 : i32
    %c0_i32_1 = arith.constant 0 : i32
    return %c0_i32, %c0_i32_0 : i32, i32
  }
  func.func @transform_3(%arg0: i32, %arg1: i32) -> (i32, i32) {
    %c0_i32 = arith.constant 0 : i32
    %c0_i32_0 = arith.constant 0 : i32
    %c0_i32_1 = arith.constant 0 : i32
    return %c0_i32, %c0_i32_0 : i32, i32
  }
  func.func @transform_4(%arg0: i32, %arg1: i32) -> (i32, i32, i32) {
    %c0_i32 = arith.constant 0 : i32
    %c0_i32_0 = arith.constant 0 : i32
    %c0_i32_1 = arith.constant 0 : i32
    return %arg0, %c0_i32, %c0_i32_0 : i32, i32, i32
  }
  func.func @transform_5(%arg0: i32, %arg1: i32) -> (i32, i32) {
    %c0_i32 = arith.constant 0 : i32
    %c0_i32_0 = arith.constant 0 : i32
    %c0_i32_1 = arith.constant 0 : i32
    return %c0_i32, %c0_i32_0 : i32, i32
  }
}

module attributes {stable_mosaic.version = 14 : i64} {
  func.func @_p6_body(%arg0: i32, %arg1: memref<1x1024x256xf32, #tpu.memory_space<vmem>>, %arg2: memref<2x256xf32, #tpu.memory_space<vmem>>, %arg3: memref<1x1024x64xf32, #tpu.memory_space<vmem>>, %arg4: memref<1x1024x64xf32, #tpu.memory_space<vmem>>, %arg5: memref<1x1024x128xf32, #tpu.memory_space<vmem>>, %arg6: memref<512x1024xf32, #tpu.memory_space<vmem>>, %arg7: memref<8x1024xf32, #tpu.memory_space<vmem>>, %arg8: memref<2x1024xf32, #tpu.memory_space<vmem>>, %arg9: memref<8x1024xf32, #tpu.memory_space<vmem>>) attributes {dimension_semantics = [#tpu.dimension_semantics<arbitrary>], iteration_bounds = array<i64: 8>, scalar_prefetch = 0 : i64, scratch_operands = 2 : i64, tpu.core_type = #tpu.core_type<tc>, window_params = [{transform_indices = @transform_0, window_bounds = array<i64: 1, 1024, 256>}, {pipeline_mode = #tpu.pipeline_mode<synchronous>, transform_indices = @transform_1, window_bounds = array<i64: 2, 256>}, {transform_indices = @transform_2, window_bounds = array<i64: 1, 1024, 64>}, {transform_indices = @transform_3, window_bounds = array<i64: 1, 1024, 64>}, {transform_indices = @transform_4, window_bounds = array<i64: 1, 1024, 128>}, {pipeline_mode = #tpu.pipeline_mode<synchronous>, transform_indices = @transform_5, window_bounds = array<i64: 512, 1024>}, {pipeline_mode = #tpu.pipeline_mode<synchronous>, transform_indices = @transform_6, window_bounds = array<i64: 8, 1024>}]} {
    %get3A = arith.constant 0 : index
    %get3A_0 = arith.constant 0 : index
    %get3A_1 = arith.constant 0 : index
    %get3A_2 = vector.load %arg1[%get3A, %get3A_0, %get3A_1] : memref<1x1024x256xf32, #tpu.memory_space<vmem>>, vector<1x1024x256xf32>
    %get3A_3 = vector.shape_cast %get3A_2 : vector<1x1024x256xf32> to vector<1024x256xf32>
    %get3A_4 = arith.constant 0 : index
    %get3A_5 = arith.constant 0 : index
    %get3A_6 = vector.load %arg2[%get3A_4, %get3A_5] : memref<2x256xf32, #tpu.memory_space<vmem>>, vector<1x256xf32>
    %sub3A = vector.broadcast %get3A_6 : vector<1x256xf32> to vector<1024x256xf32>
    %sub3A_7 = arith.subf %get3A_3, %sub3A : vector<1024x256xf32>
    %get3A_8 = arith.constant 1 : index
    %get3A_9 = arith.constant 0 : index
    %get3A_10 = vector.load %arg2[%get3A_8, %get3A_9] : memref<2x256xf32, #tpu.memory_space<vmem>>, vector<1x256xf32>
    %mul3A = vector.broadcast %get3A_10 : vector<1x256xf32> to vector<1024x256xf32>
    %mul3A_11 = arith.mulf %sub3A_7, %mul3A : vector<1024x256xf32>
    %ge3A = arith.constant 0.000000e+00 : f32
    %ge3A_12 = vector.broadcast %ge3A : f32 to vector<1024x256xf32>
    %ge3A_13 = arith.cmpf oge, %mul3A_11, %ge3A_12 : vector<1024x256xf32>
    %mul3A_14 = arith.constant 2.000000e-01 : f32
    %mul3A_15 = vector.broadcast %mul3A_14 : f32 to vector<1024x256xf32>
    %mul3A_16 = arith.mulf %mul3A_15, %mul3A_11 : vector<1024x256xf32>
    %select_n3A = arith.select %ge3A_13, %mul3A_11, %mul3A_16 : vector<1024x256xi1>, vector<1024x256xf32>
    %get3A_17 = arith.constant 0 : index
    %get3A_18 = arith.constant 0 : index
    %get3A_19 = arith.constant 0 : index
    %get3A_20 = vector.load %arg3[%get3A_17, %get3A_18, %get3A_19] : memref<1x1024x64xf32, #tpu.memory_space<vmem>>, vector<1x1024x64xf32>
    %get3A_21 = vector.shape_cast %get3A_20 : vector<1x1024x64xf32> to vector<1024x64xf32>
    %get3A_22 = arith.constant 0 : index
    %get3A_23 = arith.constant 0 : index
    %get3A_24 = arith.constant 0 : index
    %get3A_25 = vector.load %arg4[%get3A_22, %get3A_23, %get3A_24] : memref<1x1024x64xf32, #tpu.memory_space<vmem>>, vector<1x1024x64xf32>
    %get3A_26 = vector.shape_cast %get3A_25 : vector<1x1024x64xf32> to vector<1024x64xf32>
    %get3A_27 = arith.constant 0 : index
    %get3A_28 = arith.constant 0 : index
    %get3A_29 = arith.constant 0 : index
    %get3A_30 = vector.load %arg5[%get3A_27, %get3A_28, %get3A_29] : memref<1x1024x128xf32, #tpu.memory_space<vmem>>, vector<1x1024x128xf32>
    %get3A_31 = vector.shape_cast %get3A_30 : vector<1x1024x128xf32> to vector<1024x128xf32>
    %concatenate3A = tpu.concatenate %get3A_21, %get3A_26, %get3A_31, %select_n3A in 1 : vector<1024x64xf32>, vector<1024x64xf32>, vector<1024x128xf32>, vector<1024x256xf32> -> vector<1024x512xf32>
    %convert_element_type3A = arith.truncf %concatenate3A : vector<1024x512xf32> to vector<1024x512xbf16>
    %get3A_32 = arith.constant 0 : index
    %get3A_33 = arith.constant 0 : index
    %get3A_34 = vector.load %arg6[%get3A_32, %get3A_33] : memref<512x1024xf32, #tpu.memory_space<vmem>>, vector<512x1024xf32>
    %convert_element_type3A_35 = arith.truncf %get3A_34 : vector<512x1024xf32> to vector<512x1024xbf16>
    %dot_general3A = arith.constant dense<0.000000e+00> : vector<1024x1024xf32>
    %dot_general3A_36 = tpu.matmul %convert_element_type3A, %convert_element_type3A_35, %dot_general3A {dimension_numbers = #tpu.dot_dimension_numbers<[1], [0], [0], [1], [0, 0, 1, 1], [], []>, transpose_lhs_hint = false} : vector<1024x512xbf16>, vector<512x1024xbf16>, vector<1024x1024xf32> -> vector<1024x1024xf32>
    %eq3A = arith.constant 0 : i32
    %eq3A_37 = arith.cmpi eq, %arg0, %eq3A : i32
    %convert_element_type3A_38 = arith.extui %eq3A_37 : i1 to i32
    %cond3A = arith.constant 0 : i32
    %cond3A_39 = arith.cmpi ne, %convert_element_type3A_38, %cond3A : i32
    scf.if %cond3A_39 {
      %broadcast_in_dim3A_68 = arith.constant 0.000000e+00 : f32
      %broadcast_in_dim3A_69 = vector.broadcast %broadcast_in_dim3A_68 : f32 to vector<2x1024xf32>
      %swap3A_70 = arith.constant 0 : index
      %swap3A_71 = arith.constant 0 : index
      %swap3A_72 = vector.load %arg8[%swap3A_70, %swap3A_71] : memref<2x1024xf32, #tpu.memory_space<vmem>>, vector<2x1024xf32>
      tpu.vector_store %arg8[%swap3A_70, %swap3A_71], %broadcast_in_dim3A_69 {strides = array<i32>} : memref<2x1024xf32, #tpu.memory_space<vmem>>, vector<2x1024xf32>,
    } else {
    }
    %get3A_40 = arith.constant 0 : index
    %get3A_41 = arith.constant 0 : index
    %get3A_42 = vector.load %arg8[%get3A_40, %get3A_41] : memref<2x1024xf32, #tpu.memory_space<vmem>>, vector<1x1024xf32>
    %reduce_sum3A = arith.constant dense<0.000000e+00> : vector<1024xf32>
    %reduce_sum3A_43 = vector.multi_reduction <add>, %dot_general3A_36, %reduce_sum3A [0] : vector<1024x1024xf32> to vector<1024xf32>
    %broadcast_in_dim3A = vector.shape_cast %reduce_sum3A_43 : vector<1024xf32> to vector<1x1024xf32>
    %add3A = arith.addf %get3A_42, %broadcast_in_dim3A : vector<1x1024xf32>
    %swap3A = arith.constant 0 : index
    %swap3A_44 = arith.constant 0 : index
    %swap3A_45 = vector.load %arg8[%swap3A, %swap3A_44] : memref<2x1024xf32, #tpu.memory_space<vmem>>, vector<1x1024xf32>
    tpu.vector_store %arg8[%swap3A, %swap3A_44], %add3A {strides = array<i32>} : memref<2x1024xf32, #tpu.memory_space<vmem>>, vector<1x1024xf32>,
    %get3A_46 = arith.constant 1 : index
    %get3A_47 = arith.constant 0 : index
    %get3A_48 = vector.load %arg8[%get3A_46, %get3A_47] : memref<2x1024xf32, #tpu.memory_space<vmem>>, vector<1x1024xf32>
    %mul3A_49 = arith.mulf %dot_general3A_36, %dot_general3A_36 : vector<1024x1024xf32>
    %reduce_sum3A_50 = arith.constant dense<0.000000e+00> : vector<1024xf32>
    %reduce_sum3A_51 = vector.multi_reduction <add>, %mul3A_49, %reduce_sum3A_50 [0] : vector<1024x1024xf32> to vector<1024xf32>
    %broadcast_in_dim3A_52 = vector.shape_cast %reduce_sum3A_51 : vector<1024xf32> to vector<1x1024xf32>
    %add3A_53 = arith.addf %get3A_48, %broadcast_in_dim3A_52 : vector<1x1024xf32>
    %swap3A_54 = arith.constant 1 : index
    %swap3A_55 = arith.constant 0 : index
    %swap3A_56 = vector.load %arg8[%swap3A_54, %swap3A_55] : memref<2x1024xf32, #tpu.memory_space<vmem>>, vector<1x1024xf32>
    tpu.vector_store %arg8[%swap3A_54, %swap3A_55], %add3A_53 {strides = array<i32>} : memref<2x1024xf32, #tpu.memory_space<vmem>>, vector<1x1024xf32>,
    %reduce_max3A = arith.constant dense<0xFF800000> : vector<1024xf32>
    %reduce_max3A_57 = vector.multi_reduction <maximumf>, %dot_general3A_36, %reduce_max3A [0] : vector<1024x1024xf32> to vector<1024xf32>
    %swap3A_58 = arith.index_cast %arg0 : i32 to index
    %swap3A_59 = arith.constant 0 : index
    %swap3A_60 = vector.load %arg9[%swap3A_58, %swap3A_59] : memref<8x1024xf32, #tpu.memory_space<vmem>>, vector<1x1024xf32>
    %swap3A_61 = vector.shape_cast %swap3A_60 : vector<1x1024xf32> to vector<1024xf32>
    %swap3A_62 = vector.shape_cast %reduce_max3A_57 : vector<1024xf32> to vector<1x1024xf32>
    tpu.vector_store %arg9[%swap3A_58, %swap3A_59], %swap3A_62 {strides = array<i32>} : memref<8x1024xf32, #tpu.memory_space<vmem>>, vector<1x1024xf32>,
    %eq3A_63 = arith.constant 7 : i32
    %eq3A_64 = arith.cmpi eq, %arg0, %eq3A_63 : i32
    %convert_element_type3A_65 = arith.extui %eq3A_64 : i1 to i32
    %cond3A_66 = arith.constant 0 : i32
    %cond3A_67 = arith.cmpi ne, %convert_element_type3A_65, %cond3A_66 : i32
    scf.if %cond3A_67 {
      %get3A_68 = arith.constant 0 : index
      %get3A_69 = arith.constant 0 : index
      %get3A_70 = vector.load %arg8[%get3A_68, %get3A_69] : memref<2x1024xf32, #tpu.memory_space<vmem>>, vector<1x1024xf32>
      %div3A = arith.constant 8.192000e+03 : f32
      %div3A_71 = vector.broadcast %div3A : f32 to vector<1x1024xf32>
      %div3A_72 = arith.divf %get3A_70, %div3A_71 : vector<1x1024xf32>
      %get3A_73 = arith.constant 1 : index
      %get3A_74 = arith.constant 0 : index
      %get3A_75 = vector.load %arg8[%get3A_73, %get3A_74] : memref<2x1024xf32, #tpu.memory_space<vmem>>, vector<1x1024xf32>
      %div3A_76 = arith.constant 8.192000e+03 : f32
      %div3A_77 = vector.broadcast %div3A_76 : f32 to vector<1x1024xf32>
      %div3A_78 = arith.divf %get3A_75, %div3A_77 : vector<1x1024xf32>
      %mul3A_79 = arith.mulf %div3A_72, %div3A_72 : vector<1x1024xf32>
      %sub3A_80 = arith.subf %div3A_78, %mul3A_79 : vector<1x1024xf32>
      %add3A_81 = arith.constant 9.99999974E-6 : f32
      %add3A_82 = vector.broadcast %add3A_81 : f32 to vector<1x1024xf32>
      %add3A_83 = arith.addf %sub3A_80, %add3A_82 : vector<1x1024xf32>
      %rsqrt3A = math.rsqrt %add3A_83 : vector<1x1024xf32>
      %get3A_84 = arith.constant 0 : index
      %get3A_85 = arith.constant 0 : index
      %get3A_86 = vector.load %arg9[%get3A_84, %get3A_85] : memref<8x1024xf32, #tpu.memory_space<vmem>>, vector<8x1024xf32>
      %sub3A_87 = vector.broadcast %div3A_72 : vector<1x1024xf32> to vector<8x1024xf32>
      %sub3A_88 = arith.subf %get3A_86, %sub3A_87 : vector<8x1024xf32>
      %mul3A_89 = vector.broadcast %rsqrt3A : vector<1x1024xf32> to vector<8x1024xf32>
      %mul3A_90 = arith.mulf %sub3A_88, %mul3A_89 : vector<8x1024xf32>
      %ge3A_91 = arith.constant 0.000000e+00 : f32
      %ge3A_92 = vector.broadcast %ge3A_91 : f32 to vector<8x1024xf32>
      %ge3A_93 = arith.cmpf oge, %mul3A_90, %ge3A_92 : vector<8x1024xf32>
      %mul3A_94 = arith.constant 2.000000e-01 : f32
      %mul3A_95 = vector.broadcast %mul3A_94 : f32 to vector<8x1024xf32>
      %mul3A_96 = arith.mulf %mul3A_95, %mul3A_90 : vector<8x1024xf32>
      %select_n3A_97 = arith.select %ge3A_93, %mul3A_90, %mul3A_96 : vector<8x1024xi1>, vector<8x1024xf32>
      %swap3A_98 = arith.constant 0 : index
      %swap3A_99 = arith.constant 0 : index
      %swap3A_100 = vector.load %arg7[%swap3A_98, %swap3A_99] : memref<8x1024xf32, #tpu.memory_space<vmem>>, vector<8x1024xf32>
      tpu.vector_store %arg7[%swap3A_98, %swap3A_99], %select_n3A_97 {strides = array<i32>} : memref<8x1024xf32, #tpu.memory_space<vmem>>, vector<8x1024xf32>,
    } else {
    }
    return
  }
  func.func @transform_0(%arg0: i32) -> (i32, i32, i32) {
    %c0_i32 = arith.constant 0 : i32
    %c0_i32_0 = arith.constant 0 : i32
    %c0_i32_1 = arith.constant 0 : i32
    return %arg0, %c0_i32, %c0_i32_0 : i32, i32, i32
  }
  func.func @transform_1(%arg0: i32) -> (i32, i32) {
    %c0_i32 = arith.constant 0 : i32
    %c0_i32_0 = arith.constant 0 : i32
    %c0_i32_1 = arith.constant 0 : i32
    return %c0_i32, %c0_i32_0 : i32, i32
  }
  func.func @transform_2(%arg0: i32) -> (i32, i32, i32) {
    %c0_i32 = arith.constant 0 : i32
    %c0_i32_0 = arith.constant 0 : i32
    %c0_i32_1 = arith.constant 0 : i32
    return %arg0, %c0_i32, %c0_i32_0 : i32, i32, i32
  }
  func.func @transform_3(%arg0: i32) -> (i32, i32, i32) {
    %c0_i32 = arith.constant 0 : i32
    %c0_i32_0 = arith.constant 0 : i32
    %c0_i32_1 = arith.constant 0 : i32
    return %arg0, %c0_i32, %c0_i32_0 : i32, i32, i32
  }
  func.func @transform_4(%arg0: i32) -> (i32, i32, i32) {
    %c0_i32 = arith.constant 0 : i32
    %c0_i32_0 = arith.constant 0 : i32
    %c0_i32_1 = arith.constant 0 : i32
    return %arg0, %c0_i32, %c0_i32_0 : i32, i32, i32
  }
  func.func @transform_5(%arg0: i32) -> (i32, i32) {
    %c0_i32 = arith.constant 0 : i32
    %c0_i32_0 = arith.constant 0 : i32
    %c0_i32_1 = arith.constant 0 : i32
    return %c0_i32, %c0_i32_0 : i32, i32
  }
  func.func @transform_6(%arg0: i32) -> (i32, i32) {
    %c0_i32 = arith.constant 0 : i32
    %c0_i32_0 = arith.constant 0 : i32
    %c0_i32_1 = arith.constant 0 : i32
    return %c0_i32, %c0_i32_0 : i32, i32
  }
}

</mosaic_0001>

<sc_bundles>
// kernel: sparse-core-data-format-call.1.cloned.1.call-start
scs
called_computation.1_lowered:
.L_overlay_start_0:
0x0: {  	s1 =	sld [smem:$0x3FD9]  }
0x1: {  	s2 =	sld [smem:$0x3FFE];
	_ =	sdelay $0x1  }
0x2: {  	s3 =	srdreg.scid  }
0x3: {  	s0 =	sand.u32 $0x1, s3  }
0x4: {  	s17 =	sshll.u32 s0, $0xA;
	s1 =	sadd.s32 s2, s1  }
0x5: {  	s1 =	sadd.s32 s1, s17  }
0x6: {  	[smem:$0x3FC2] =	sst s1  }
0x7: {  	_ = 	snop  }
0x8: {  	(tm) =	ssettm $0x1  }
0x9: {  	s18 =	sld [smem:$0x3FFB];
	_ =	sdelay $0x3  }
0xa: {  	_ =	strace s18  }
0xb: {  	s1 =	sld [smem:$0x3FFC];
	_ =	sdelay $0x3  }
0xc: {  	_ =	strace s1  }
0xd: {  	s1 =	sld [smem:$0x3FFD];
	_ =	sdelay $0x3  }
0xe: {  	_ =	strace s1  }
0xf: {  	_ =	strace $0x8FFFFFFF  }
0x10: {  	s19 =	sld [smem:$0x3FDB];
	_ =	sdelay $0x1  }
0x11: {  	s20 =	simm.s32 $_scs_section_size  }
0x12: {  	s4 =	simm.s32 $_size__tile_overlayer_lowered;
	s5 =	simm.s32 $_tile_overlayer_lowered  }
0x13: {  	s23 =	simm.s32 $0x1BFF;
	s22 =	sshll.u32 s5, $0x1;
	s1 =	sadd.s32 s20, s19  }
0x14: {  	s6 =	simm.s32 $0x0;
	s21 =	sshll.u32 s4, $0x1;
	s4 =	sadd.s32 s22, s1  }
0x15: {  	[timem:s6], [sflag:s23] =	dma.local [hbm:s4], s21  }
0x16: {  	_ =	swait.ge [sflag:s23], s21  }
0x17: {  	s2 =	ssub.s32 $0x0, s21;
	[sflag:s23] =	ssyncset.done $0x0  }
0x18: {  	[sflag:s23] =	ssyncadd.s32 s2;
	_ =	sdelay $0x1  }
0x19: {  	s24 =	simm.s32 $0x1B8B  }
0x1a: {  	_ =	swait.ge [sflag:s24], $0x1  }
0x1b: {  	[sflag:s24] =	ssyncset.done $0x0  }
0x1c: {  	s26 =	simm.s32 $0x1B8E;
	s25 =	sld [smem:$0x3FFE];
	[sflag:s24] =	ssyncadd.s32 $0xFFFFFFFF  }
0x1d: {  	s27 =	simm.s32 $execute0_lowered;
	[smem:$0x3FD2] =	sst s26  }
0x1e: {  	s4 =	sshll.u32 s27, $0x1;
	_ =	strace $0x80000049;
	[dreg:$0x1] =	wrdreg $0xFFFFFFFF  }
0x1f: {  	s28 =	simm.s32 $_size_execute0_lowered;
	s1 =	sadd.s32 s1, s4;
	[dreg:$0x0] =	wrdreg $0x0  }
0x20: {  	s4 =	sshll.u32 s28, $0x1;
	[dreg:$0x2] =	wrdreg s1  }
0x21: {  	[dreg:$0x3] =	wrdreg s4  }
0x22: {  	[dreg:$0x4] =	wrdreg $0xC0  }
0x23: {  	_ =	task [dreg:s6], $0x5FFFF  }
0x24: {  	[dreg:$0x1] =	wrdreg $0xFFFFFFFF  }
0x25: {  	[dreg:$0x0] =	wrdreg $0x60  }
0x26: {  	[dreg:$0x2] =	wrdreg s25  }
0x27: {  	[dreg:$0x3] =	wrdreg $0x9  }
0x28: {  	_ =	task.clear_ibuf [dreg:s6], $0x4FFFF;
	_ =	strace $0x90000049  }
0x29: {  	s29 =	simm.s32 $0x9;
	_ =	strace $0x8000004B  }
0x2a: {  	_ =	swait.ge [sflag:s29], $0x1  }
0x2b: {  	[sflag:s29] =	ssyncadd.s32 $0xFFFFFFFF  }
0x2c: {  	_ =	strace $0x9000004B  }
0x2d: {  	_ =	sfence  }
0x2e: {  	s30 =	sld [smem:$0x0];
	_ =	sdelay $0x2  }
0x2f: {  	s31 =	sshll.u32 s3, $0xD;
	s3 =	sshrl.u32 s3, $0x2  }
0x30: {  	s2 =	sand.u32 $0x4000, s31;
	s1 =	sadd.s32 s3, s30  }
0x31: {  	s0 =	sor.u32 s2, s0;
	s1 =	sshll.u32 s1, $0x11  }
0x32: {  	s0 =	sor.u32 s1, s0  }
0x33: {  	s0 =	sadd.s32 $0x8F2B, s0  }
0x34: {  	[sflag:s0] =	ssyncadd.remote.s32 $0x1  }
0x35: {  	_ =	sfence.sel $0xFFFF  }
0x36: {  	[dreg:$0x0] =	wrdreg $0xFFFFFFFF;
	(pc) =	sbr.abs _section_cstart, $3  }
0x37: {  	[dreg:$0x1] =	wrdreg $0xFFFFFFFF  }
0x38: {  	_ =	task.clear_ibuf [dreg:s6], $0x2FFFF;
	_ =	strace $0x9FFFFFFF  }
0x39: {  	(tm) =	ssettm $0x7FFFFFFF  }
tec
execute0_lowered:
.L_overlay_start_1:
0x0: {  	(tag) =	ssettag $0x1  }
0x1: {  	s0 =	stileid.u32  }
0x2: {  	s1 =	srdreg.scid;
	s6 =	rddreg [dreg:$0x0]  }
0x3: {  	s5 =	simm.s32 $0x1;
	s2 =	sshll.u32 s0, $0x5;
	s1 =	sshll.u32 s1, $0x9  }
0x4: {  	s8 =	simm.s32 $0x2;
	s16 =	simm.s32 $0x0;
	s1 =	sor.u32 s2, s1  }
0x5: {  	s9 =	simm.s32 $0x40;
	s10 =	simm.s32 $0x80;
	s2 =	sand.u32 $0x300, s1  }
0x6: {  	s11 =	simm.s32 $0x0;
	s17 =	simm.s32 $0x0;
	s3 =	ssub.s32 $0x400, s2  }
0x7: {  	s18 =	simm.s32 $0x0;
	s12 =	simm.s32 $0x0;
	s4 =	sand.u32 $0x300, s3  }
0x8: {  	s15 =	simm.s32 $0x0;
	s1 =	rddreg [dreg:$0x1];
	p0 =	sne.s32 s4, $0x0  }
.Ltmp0:
0x9: {  	s7 =	sshrl.u32 s3, $0xA;
	s5 =	simm.s32 @!p0 $0x0;
	(pc) =	sbr.rel .LBB1_1-.Ltmp0, $4  }
0xa: {  	_ =	strace $0x8000004A;
	s13 =	smov.u32 s2;
	s5 =	sadd.s32 s5, s7  }
0xb: {  	s3 =	sadd.s32 $0x3C0000, s6;
	s4 =	simm.s32 $0x1;
	s5 =	smul.u32 $0x14, s5  }
0xc: {  	s6 =	sadd.s32 $0x140000, s6;
	[sflag:s4] =	ssyncpa.u1 $0x0;
	s7 =	sand.u32 $0x7, s0  }
0xd: {  	[sflag:s8] =	ssyncpa.u1 $0x0;
	s14 =	smov.u32 s7;
	s8 =	sor.u32 $0x1, s5  }
.LBB1_4:
0xe: {  	_ =	sdelay $0x2  }
0xf: {  	s18 =	smul.u32 $0x50000, s18  }
0x10: {  	[tilespmem:v1+s19+$0x10 ss:$0x1] =	vst.idx.msk $0xffff, v2  }
0x11: {  	[tilespmem:v1+s19+$0xFFFFFFE0 ss:$0x1] =	vst.idx.msk $0xffff, v4;
	s16 =	sshll.u32 s16, $0xE;
	s17 =	sshll.u32 s17, $0x4;
	s18 =	sadd.s32 s6, s18  }
0x12: {  	[tilespmem:v1+s19+$0xFFFFFFF0 ss:$0x1] =	vst.idx.msk $0xffff, v3;
	s17 =	sand.u32 $0x3FF0, s17;
	s16 =	sadd.s32 s16, s18  }
0x13: {  	[tilespmem:v1+s19+$0x0 ss:$0x1] =	vst.idx.msk $0xffff, v5;
	s16 =	sadd.s32 s17, s16  }
0x14: {  	[hbm4b:s16+s9] =	stream.strided.scatter [tilespmem:s20], [sflag:$0x2], $0x4000, s10, s9, $0x38;
	[tilespmem:$0x10000] =	vst v63  }
.LBB1_5:
0x15: {  	s19 =	sadd.s32 $0x1, s12  }
0x16: {  	s16 =	sadd.s32 $0x400, s13;
	s20 =	smov.u32 s13;
	p1 =	sgt.s32 s19, $0x13  }
0x17: {  	s20 =	smov.u32 @p1 s16  }
0x18: {  	s22 =	smov.u32 s14;
	s16 =	sadd.s32 $0x8, s14;
	p2 =	sgt.s32 s20, $0x3FF  }
0x19: {  	s22 =	smov.u32 @p2 s16  }
0x1a: {  	s19 =	simm.s32 @p1 $0x0;
	p1 =	sgt.s32 s22, $0x7  }
0x1b: {  	p0 =	slt.u32 s15, $0x2;
	s22 =	smov.u32 @p1 s7;
	p1 =	sne.s32 s15, s8  }
.Ltmp1:
0x1c: {  	s21 =	simm.s32 @!p0 $0x2;
	(pc) =	sbr.rel @!p1 .LBB1_6-.Ltmp1, $4  }
0x1d: {  	s17 =	smov.u32 s13;
	s18 =	smov.u32 s14;
	_ =	swait.ge @!p0 [sflag:s21], $0x4000  }
0x1e: {  	s11 =	sadd.s32 $0x4000, s11;
	[sflag:s21] =	ssyncset.done @!p0 $0x0;
	s20 =	smov.u32 @p2 s2  }
0x1f: {  	s16 =	smov.u32 s12;
	[sflag:s21] =	ssyncadd.s32 @!p0 $0xFFFFC000;
	s12 =	smov.u32 s19  }
0x20: {  	s13 =	smov.u32 s20;
	s15 =	sadd.s32 $0x1, s15;
	s14 =	smov.u32 s22  }
.LBB1_1:
0x21: {  	p0 =	sge.u32 s15, s5  }
0x22: {  	s19 =	sand.u32 @!p0 $0x1FFFFFF, s12;
	s21 =	smul.u32 @!p0 $0x60000, s14  }
0x23: {  	s20 =	smulhi.u32 @!p0 $0xAAAAAAB, s19  }
0x24: {  	s23 =	smul.u32 @!p0 $0x180, s13  }
0x25: {  	s20 =	smul.u32 @!p0 $0x18, s20  }
0x26: {  	s31 =	sadd.s32 $0xFFFFFFFF, s15;
	s21 =	sadd.s32 @!p0 s3, s21  }
0x27: {  	s22 =	sxor.u32 @!p0 $0xFFFFFFFF, s15;
	s21 =	sadd.s32 @!p0 s23, s21;
	s19 =	ssub.s32 @!p0 s19, s20  }
0x28: {  	s20 =	sshll.u32 @!p0 s22, $0xE;
	s22 =	simm.s32 @!p0 $0xC00;
	s19 =	sshll.u32 @!p0 s19, $0x4  }
0x29: {  	s20 =	sand.u32 @!p0 $0x4000, s20;
	s19 =	sadd.s32 @!p0 s19, s21;
	s21 =	simm.s32 @!p0 $0x40  }
0x2a: {  	[tilespmem:s20], [sflag:$0x1] =	stream.strided.gather @!p0 [hbm4b:s19+s21], $0x4000, s22, s21, $0x38;
	[tilespmem:$0x10000] =	vst v63  }
0x2b: {  	p0 =	sge.u32 s31, s5  }
.Ltmp2:
0x2c: {  	_ = 	snop;
	(pc) =	sbr.rel @p0 .LBB1_5-.Ltmp2, $1  }
0x2d: {  	_ =	sdelay $0x3  }
0x2e: {  	s20 =	sand.u32 $0x4000, s11  }
0x2f: {  	v0 =	vmov s20;
	_ =	sdelay $0x1  }
0x30: {  	_ =	swait.ge [sflag:s4], $0x4000  }
0x31: {  	[sflag:s4] =	ssyncset.done $0x0  }
0x32: {  	s19 =	simm.s32 $0x0;
	[sflag:s4] =	ssyncadd.s32 $0xFFFFC000  }
0x33: {  	s22 =	sor.u32 $0x8020, s20;
	v2 =	vld.idx.msk [tilespmem:v0+s19+$0x30 ss:$0x1], $0xffff  }
0x34: {  	s21 =	sshll.u32 s15, $0xE;
	v1 =	vmov s22;
	v4 =	vld.idx.msk [tilespmem:v0+s19+$0x0 ss:$0x1], $0xffff  }
0x35: {  	s31 =	sand.u32 $0x4000, s21;
	v3 =	vld.idx.msk [tilespmem:v0+s19+$0x10 ss:$0x1], $0xffff  }
0x36: {  	s21 =	simm.s32 $0x100;
	s20 =	sor.u32 $0x8000, s31;
	v5 =	vld.idx.msk [tilespmem:v0+s19+$0x20 ss:$0x1], $0xffff  }
.LBB1_3:
0x37: {  	p0 =	sne.s32 s21, $0xFF00  }
.Ltmp3:
0x38: {  	s22 =	sshra.s32 s21, $0x2;
	s21 =	sadd.s32 $0x100, s21;
	(pc) =	sbr.rel @p0 .LBB1_3-.Ltmp3, $4  }
0x39: {  	[tilespmem:v1+s19+$0x10 ss:$0x1] =	vst.idx.msk $0xffff, v2;
	v2 =	vld.idx.msk [tilespmem:v0+s22+$0x30 ss:$0x1], $0xffff  }
0x3a: {  	[tilespmem:v1+s19+$0xFFFFFFE0 ss:$0x1] =	vst.idx.msk $0xffff, v4;
	v4 =	vld.idx.msk [tilespmem:v0+s22+$0x0 ss:$0x1], $0xffff  }
0x3b: {  	[tilespmem:v1+s19+$0xFFFFFFF0 ss:$0x1] =	vst.idx.msk $0xffff, v3;
	v3 =	vld.idx.msk [tilespmem:v0+s22+$0x10 ss:$0x1], $0xffff  }
0x3c: {  	[tilespmem:v1+s19+$0x0 ss:$0x1] =	vst.idx.msk $0xffff, v5;
	v5 =	vld.idx.msk [tilespmem:v0+s22+$0x20 ss:$0x1], $0xffff;
	s19 =	smov.u32 s22  }
.Ltmp4:
0x3d: {  	_ = 	snop;
	(pc) =	sbr.rel .LBB1_4-.Ltmp4, $1  }
0x3e: {  	_ =	sdelay $0x3  }
.LBB1_6:
0x3f: {  	_ =	sfence.sel $0x180000  }
0x40: {  	s2 =	simm.s32 $0x1;
	[bflag:$0x0] =	sbarrier.arrive $0xFFFF  }
0x41: {  	s31 =	simm.s32 $0x2;
	[sflag:s2] =	ssyncpa.u1 $0x1  }
0x42: {  	[sflag:s31] =	ssyncpa.u1 $0x1  }
0x43: {  	p0 =	sne.s32 s0, $0x0;
	_ =	strace $0x9000004A  }
0x44: {  	s0 =	sadd.s32 @!p0 $0x100000, s1;
	[bflag:$0x2] =	sbarrier.arrive $0xFFFF  }
0x45: {  	[sflag:s0] =	ssyncadd.tile.s32 @!p0 $0x1;
	_ =	shalt  }
.Lfunc_end1:
_tile_overlayer_lowered:
.L_overlay_start_2:
0x46: {  	(tag) =	ssettag $0x2  }
0x47: {  	s0 =	rddreg [dreg:$0x0];
	s2 =	stileid.u32  }
0x48: {  	s1 =	rddreg [dreg:$0x1];
	p0 =	sne.s32 s2, $0x0  }
0x49: {  	s3 =	rddreg [dreg:$0x2];
	[bflag:$0x3] =	sbarrier.arrive $0xFFFF;
	s2 =	simm.s32 @!p0 $0x1C01  }
0x4a: {  	[timem:s3], [sflag:s2] =	dma.local @!p0 [hbm:s0], s1  }
0x4b: {  	s0 =	simm.s32 @!p0 $0x1  }
0x4c: {  	_ =	swait.ge @!p0 [sflag:s0], s1  }
0x4d: {  	s1 =	ssub.s32 @!p0 $0x0, s1;
	[sflag:s0] =	ssyncset.done @!p0 $0x0  }
0x4e: {  	[sflag:s0] =	ssyncadd.s32 @!p0 s1  }
0x4f: {  	[bflag:$0x3] =	sbarrier.arrive $0xFFFF  }
0x50: {  	_ =	shalt  }

// kernel: sparse-core-data-format-call.2.cloned.1.call-start
scs
called_computation.2_lowered:
.L_overlay_start_0:
0x0: {  	s1 =	sld [smem:$0x3FD9]  }
0x1: {  	s2 =	sld [smem:$0x3FFE];
	_ =	sdelay $0x1  }
0x2: {  	s3 =	srdreg.scid  }
0x3: {  	s0 =	sand.u32 $0x1, s3  }
0x4: {  	s17 =	sshll.u32 s0, $0xA;
	s1 =	sadd.s32 s2, s1  }
0x5: {  	s1 =	sadd.s32 s1, s17  }
0x6: {  	[smem:$0x3FC2] =	sst s1  }
0x7: {  	_ = 	snop  }
0x8: {  	(tm) =	ssettm $0x1  }
0x9: {  	s18 =	sld [smem:$0x3FFB];
	_ =	sdelay $0x3  }
0xa: {  	_ =	strace s18  }
0xb: {  	s1 =	sld [smem:$0x3FFC];
	_ =	sdelay $0x3  }
0xc: {  	_ =	strace s1  }
0xd: {  	s1 =	sld [smem:$0x3FFD];
	_ =	sdelay $0x3  }
0xe: {  	_ =	strace s1  }
0xf: {  	_ =	strace $0x8FFFFFFF  }
0x10: {  	s19 =	sld [smem:$0x3FDB];
	_ =	sdelay $0x1  }
0x11: {  	s20 =	simm.s32 $_scs_section_size  }
0x12: {  	s4 =	simm.s32 $_size__tile_overlayer_lowered;
	s5 =	simm.s32 $_tile_overlayer_lowered  }
0x13: {  	s23 =	simm.s32 $0x1BFF;
	s22 =	sshll.u32 s5, $0x1;
	s1 =	sadd.s32 s20, s19  }
0x14: {  	s6 =	simm.s32 $0x0;
	s21 =	sshll.u32 s4, $0x1;
	s4 =	sadd.s32 s22, s1  }
0x15: {  	[timem:s6], [sflag:s23] =	dma.local [hbm:s4], s21  }
0x16: {  	_ =	swait.ge [sflag:s23], s21  }
0x17: {  	s2 =	ssub.s32 $0x0, s21;
	[sflag:s23] =	ssyncset.done $0x0  }
0x18: {  	[sflag:s23] =	ssyncadd.s32 s2;
	_ =	sdelay $0x1  }
0x19: {  	s24 =	simm.s32 $0x1B8B  }
0x1a: {  	_ =	swait.ge [sflag:s24], $0x1  }
0x1b: {  	[sflag:s24] =	ssyncset.done $0x0  }
0x1c: {  	s26 =	simm.s32 $0x1B8E;
	s25 =	sld [smem:$0x3FFE];
	[sflag:s24] =	ssyncadd.s32 $0xFFFFFFFF  }
0x1d: {  	s27 =	simm.s32 $execute0_lowered;
	[smem:$0x3FD2] =	sst s26  }
0x1e: {  	s4 =	sshll.u32 s27, $0x1;
	_ =	strace $0x80000046;
	[dreg:$0x1] =	wrdreg $0xFFFFFFFF  }
0x1f: {  	s28 =	simm.s32 $_size_execute0_lowered;
	s1 =	sadd.s32 s1, s4;
	[dreg:$0x0] =	wrdreg $0x0  }
0x20: {  	s4 =	sshll.u32 s28, $0x1;
	[dreg:$0x2] =	wrdreg s1  }
0x21: {  	[dreg:$0x3] =	wrdreg s4  }
0x22: {  	[dreg:$0x4] =	wrdreg $0xC0  }
0x23: {  	_ =	task [dreg:s6], $0x5FFFF  }
0x24: {  	[dreg:$0x1] =	wrdreg $0xFFFFFFFF  }
0x25: {  	[dreg:$0x0] =	wrdreg $0x60  }
0x26: {  	[dreg:$0x2] =	wrdreg s25  }
0x27: {  	[dreg:$0x3] =	wrdreg $0x9  }
0x28: {  	_ =	task.clear_ibuf [dreg:s6], $0x4FFFF;
	_ =	strace $0x90000046  }
0x29: {  	s29 =	simm.s32 $0x9;
	_ =	strace $0x80000048  }
0x2a: {  	_ =	swait.ge [sflag:s29], $0x1  }
0x2b: {  	[sflag:s29] =	ssyncadd.s32 $0xFFFFFFFF  }
0x2c: {  	_ =	strace $0x90000048  }
0x2d: {  	_ =	sfence  }
0x2e: {  	s30 =	sld [smem:$0x0];
	_ =	sdelay $0x2  }
0x2f: {  	s31 =	sshll.u32 s3, $0xD;
	s3 =	sshrl.u32 s3, $0x2  }
0x30: {  	s2 =	sand.u32 $0x4000, s31;
	s1 =	sadd.s32 s3, s30  }
0x31: {  	s0 =	sor.u32 s2, s0;
	s1 =	sshll.u32 s1, $0x11  }
0x32: {  	s0 =	sor.u32 s1, s0  }
0x33: {  	s0 =	sadd.s32 $0x8F2B, s0  }
0x34: {  	[sflag:s0] =	ssyncadd.remote.s32 $0x1  }
0x35: {  	_ =	sfence.sel $0xFFFF  }
0x36: {  	[dreg:$0x0] =	wrdreg $0xFFFFFFFF;
	(pc) =	sbr.abs _section_cstart, $3  }
0x37: {  	[dreg:$0x1] =	wrdreg $0xFFFFFFFF  }
0x38: {  	_ =	task.clear_ibuf [dreg:s6], $0x2FFFF;
	_ =	strace $0x9FFFFFFF  }
0x39: {  	(tm) =	ssettm $0x7FFFFFFF  }
tec
execute0_lowered:
.L_overlay_start_1:
0x0: {  	(tag) =	ssettag $0x1  }
0x1: {  	s0 =	stileid.u32  }
0x2: {  	s1 =	srdreg.scid;
	s6 =	rddreg [dreg:$0x0]  }
0x3: {  	s5 =	simm.s32 $0x1;
	s2 =	sshll.u32 s0, $0x5;
	s1 =	sshll.u32 s1, $0x9  }
0x4: {  	s8 =	simm.s32 $0x2;
	s16 =	simm.s32 $0x0;
	s1 =	sor.u32 s2, s1  }
0x5: {  	s9 =	simm.s32 $0x40;
	s10 =	simm.s32 $0x80;
	s2 =	sand.u32 $0x300, s1  }
0x6: {  	s11 =	simm.s32 $0x0;
	s17 =	simm.s32 $0x0;
	s3 =	ssub.s32 $0x400, s2  }
0x7: {  	s18 =	simm.s32 $0x0;
	s12 =	simm.s32 $0x0;
	s4 =	sand.u32 $0x300, s3  }
0x8: {  	s15 =	simm.s32 $0x0;
	s1 =	rddreg [dreg:$0x1];
	p0 =	sne.s32 s4, $0x0  }
.Ltmp0:
0x9: {  	s7 =	sshrl.u32 s3, $0xA;
	s5 =	simm.s32 @!p0 $0x0;
	(pc) =	sbr.rel .LBB1_1-.Ltmp0, $4  }
0xa: {  	_ =	strace $0x80000047;
	s13 =	smov.u32 s2;
	s5 =	sadd.s32 s5, s7  }
0xb: {  	s3 =	sadd.s32 $0x3A0000, s6;
	s4 =	simm.s32 $0x1;
	s5 =	smul.u32 $0x14, s5  }
0xc: {  	s6 =	sadd.s32 $0x120000, s6;
	[sflag:s4] =	ssyncpa.u1 $0x0;
	s7 =	sand.u32 $0x7, s0  }
0xd: {  	[sflag:s8] =	ssyncpa.u1 $0x0;
	s14 =	smov.u32 s7;
	s8 =	sor.u32 $0x1, s5  }
.LBB1_4:
0xe: {  	_ =	sdelay $0x2  }
0xf: {  	s18 =	smul.u32 $0x50000, s18  }
0x10: {  	[tilespmem:v1+s19+$0x10 ss:$0x1] =	vst.idx.msk $0xffff, v2  }
0x11: {  	[tilespmem:v1+s19+$0xFFFFFFE0 ss:$0x1] =	vst.idx.msk $0xffff, v4;
	s16 =	sshll.u32 s16, $0xE;
	s17 =	sshll.u32 s17, $0x4;
	s18 =	sadd.s32 s6, s18  }
0x12: {  	[tilespmem:v1+s19+$0xFFFFFFF0 ss:$0x1] =	vst.idx.msk $0xffff, v3;
	s17 =	sand.u32 $0x3FF0, s17;
	s16 =	sadd.s32 s16, s18  }
0x13: {  	[tilespmem:v1+s19+$0x0 ss:$0x1] =	vst.idx.msk $0xffff, v5;
	s16 =	sadd.s32 s17, s16  }
0x14: {  	[hbm4b:s16+s9] =	stream.strided.scatter [tilespmem:s20], [sflag:$0x2], $0x4000, s10, s9, $0x38;
	[tilespmem:$0x10000] =	vst v63  }
.LBB1_5:
0x15: {  	s19 =	sadd.s32 $0x1, s12  }
0x16: {  	s16 =	sadd.s32 $0x400, s13;
	s20 =	smov.u32 s13;
	p1 =	sgt.s32 s19, $0x13  }
0x17: {  	s20 =	smov.u32 @p1 s16  }
0x18: {  	s22 =	smov.u32 s14;
	s16 =	sadd.s32 $0x8, s14;
	p2 =	sgt.s32 s20, $0x3FF  }
0x19: {  	s22 =	smov.u32 @p2 s16  }
0x1a: {  	s19 =	simm.s32 @p1 $0x0;
	p1 =	sgt.s32 s22, $0x7  }
0x1b: {  	p0 =	slt.u32 s15, $0x2;
	s22 =	smov.u32 @p1 s7;
	p1 =	sne.s32 s15, s8  }
.Ltmp1:
0x1c: {  	s21 =	simm.s32 @!p0 $0x2;
	(pc) =	sbr.rel @!p1 .LBB1_6-.Ltmp1, $4  }
0x1d: {  	s17 =	smov.u32 s13;
	s18 =	smov.u32 s14;
	_ =	swait.ge @!p0 [sflag:s21], $0x4000  }
0x1e: {  	s11 =	sadd.s32 $0x4000, s11;
	[sflag:s21] =	ssyncset.done @!p0 $0x0;
	s20 =	smov.u32 @p2 s2  }
0x1f: {  	s16 =	smov.u32 s12;
	[sflag:s21] =	ssyncadd.s32 @!p0 $0xFFFFC000;
	s12 =	smov.u32 s19  }
0x20: {  	s13 =	smov.u32 s20;
	s15 =	sadd.s32 $0x1, s15;
	s14 =	smov.u32 s22  }
.LBB1_1:
0x21: {  	p0 =	sge.u32 s15, s5  }
0x22: {  	s19 =	sand.u32 @!p0 $0x1FFFFFF, s12;
	s21 =	smul.u32 @!p0 $0x60000, s14  }
0x23: {  	s20 =	smulhi.u32 @!p0 $0xAAAAAAB, s19  }
0x24: {  	s23 =	smul.u32 @!p0 $0x180, s13  }
0x25: {  	s20 =	smul.u32 @!p0 $0x18, s20  }
0x26: {  	s31 =	sadd.s32 $0xFFFFFFFF, s15;
	s21 =	sadd.s32 @!p0 s3, s21  }
0x27: {  	s22 =	sxor.u32 @!p0 $0xFFFFFFFF, s15;
	s21 =	sadd.s32 @!p0 s23, s21;
	s19 =	ssub.s32 @!p0 s19, s20  }
0x28: {  	s20 =	sshll.u32 @!p0 s22, $0xE;
	s22 =	simm.s32 @!p0 $0xC00;
	s19 =	sshll.u32 @!p0 s19, $0x4  }
0x29: {  	s20 =	sand.u32 @!p0 $0x4000, s20;
	s19 =	sadd.s32 @!p0 s19, s21;
	s21 =	simm.s32 @!p0 $0x40  }
0x2a: {  	[tilespmem:s20], [sflag:$0x1] =	stream.strided.gather @!p0 [hbm4b:s19+s21], $0x4000, s22, s21, $0x38;
	[tilespmem:$0x10000] =	vst v63  }
0x2b: {  	p0 =	sge.u32 s31, s5  }
.Ltmp2:
0x2c: {  	_ = 	snop;
	(pc) =	sbr.rel @p0 .LBB1_5-.Ltmp2, $1  }
0x2d: {  	_ =	sdelay $0x3  }
0x2e: {  	s20 =	sand.u32 $0x4000, s11  }
0x2f: {  	v0 =	vmov s20;
	_ =	sdelay $0x1  }
0x30: {  	_ =	swait.ge [sflag:s4], $0x4000  }
0x31: {  	[sflag:s4] =	ssyncset.done $0x0  }
0x32: {  	s19 =	simm.s32 $0x0;
	[sflag:s4] =	ssyncadd.s32 $0xFFFFC000  }
0x33: {  	s22 =	sor.u32 $0x8020, s20;
	v2 =	vld.idx.msk [tilespmem:v0+s19+$0x30 ss:$0x1], $0xffff  }
0x34: {  	s21 =	sshll.u32 s15, $0xE;
	v1 =	vmov s22;
	v4 =	vld.idx.msk [tilespmem:v0+s19+$0x0 ss:$0x1], $0xffff  }
0x35: {  	s31 =	sand.u32 $0x4000, s21;
	v3 =	vld.idx.msk [tilespmem:v0+s19+$0x10 ss:$0x1], $0xffff  }
0x36: {  	s21 =	simm.s32 $0x100;
	s20 =	sor.u32 $0x8000, s31;
	v5 =	vld.idx.msk [tilespmem:v0+s19+$0x20 ss:$0x1], $0xffff  }
.LBB1_3:
0x37: {  	p0 =	sne.s32 s21, $0xFF00  }
.Ltmp3:
0x38: {  	s22 =	sshra.s32 s21, $0x2;
	s21 =	sadd.s32 $0x100, s21;
	(pc) =	sbr.rel @p0 .LBB1_3-.Ltmp3, $4  }
0x39: {  	[tilespmem:v1+s19+$0x10 ss:$0x1] =	vst.idx.msk $0xffff, v2;
	v2 =	vld.idx.msk [tilespmem:v0+s22+$0x30 ss:$0x1], $0xffff  }
0x3a: {  	[tilespmem:v1+s19+$0xFFFFFFE0 ss:$0x1] =	vst.idx.msk $0xffff, v4;
	v4 =	vld.idx.msk [tilespmem:v0+s22+$0x0 ss:$0x1], $0xffff  }
0x3b: {  	[tilespmem:v1+s19+$0xFFFFFFF0 ss:$0x1] =	vst.idx.msk $0xffff, v3;
	v3 =	vld.idx.msk [tilespmem:v0+s22+$0x10 ss:$0x1], $0xffff  }
0x3c: {  	[tilespmem:v1+s19+$0x0 ss:$0x1] =	vst.idx.msk $0xffff, v5;
	v5 =	vld.idx.msk [tilespmem:v0+s22+$0x20 ss:$0x1], $0xffff;
	s19 =	smov.u32 s22  }
.Ltmp4:
0x3d: {  	_ = 	snop;
	(pc) =	sbr.rel .LBB1_4-.Ltmp4, $1  }
0x3e: {  	_ =	sdelay $0x3  }
.LBB1_6:
0x3f: {  	_ =	sfence.sel $0x180000  }
0x40: {  	s2 =	simm.s32 $0x1;
	[bflag:$0x0] =	sbarrier.arrive $0xFFFF  }
0x41: {  	s31 =	simm.s32 $0x2;
	[sflag:s2] =	ssyncpa.u1 $0x1  }
0x42: {  	[sflag:s31] =	ssyncpa.u1 $0x1  }
0x43: {  	p0 =	sne.s32 s0, $0x0;
	_ =	strace $0x90000047  }
0x44: {  	s0 =	sadd.s32 @!p0 $0x100000, s1;
	[bflag:$0x2] =	sbarrier.arrive $0xFFFF  }
0x45: {  	[sflag:s0] =	ssyncadd.tile.s32 @!p0 $0x1;
	_ =	shalt  }
.Lfunc_end1:
_tile_overlayer_lowered:
.L_overlay_start_2:
0x46: {  	(tag) =	ssettag $0x2  }
0x47: {  	s0 =	rddreg [dreg:$0x0];
	s2 =	stileid.u32  }
0x48: {  	s1 =	rddreg [dreg:$0x1];
	p0 =	sne.s32 s2, $0x0  }
0x49: {  	s3 =	rddreg [dreg:$0x2];
	[bflag:$0x3] =	sbarrier.arrive $0xFFFF;
	s2 =	simm.s32 @!p0 $0x1C01  }
0x4a: {  	[timem:s3], [sflag:s2] =	dma.local @!p0 [hbm:s0], s1  }
0x4b: {  	s0 =	simm.s32 @!p0 $0x1  }
0x4c: {  	_ =	swait.ge @!p0 [sflag:s0], s1  }
0x4d: {  	s1 =	ssub.s32 @!p0 $0x0, s1;
	[sflag:s0] =	ssyncset.done @!p0 $0x0  }
0x4e: {  	[sflag:s0] =	ssyncadd.s32 @!p0 s1  }
0x4f: {  	[bflag:$0x3] =	sbarrier.arrive $0xFFFF  }
0x50: {  	_ =	shalt  }

// kernel: sparse-core-data-format-call.cloned.1.call-start
scs
called_computation_lowered:
.L_overlay_start_0:
0x0: {  	s1 =	sld [smem:$0x3FD9]  }
0x1: {  	s2 =	sld [smem:$0x3FFE];
	_ =	sdelay $0x1  }
0x2: {  	s3 =	srdreg.scid  }
0x3: {  	s0 =	sand.u32 $0x1, s3  }
0x4: {  	s17 =	sshll.u32 s0, $0xA;
	s1 =	sadd.s32 s2, s1  }
0x5: {  	s1 =	sadd.s32 s1, s17  }
0x6: {  	[smem:$0x3FC2] =	sst s1  }
0x7: {  	_ = 	snop  }
0x8: {  	(tm) =	ssettm $0x1  }
0x9: {  	s18 =	sld [smem:$0x3FFB];
	_ =	sdelay $0x3  }
0xa: {  	_ =	strace s18  }
0xb: {  	s1 =	sld [smem:$0x3FFC];
	_ =	sdelay $0x3  }
0xc: {  	_ =	strace s1  }
0xd: {  	s1 =	sld [smem:$0x3FFD];
	_ =	sdelay $0x3  }
0xe: {  	_ =	strace s1  }
0xf: {  	_ =	strace $0x8FFFFFFF  }
0x10: {  	s19 =	sld [smem:$0x3FDB];
	_ =	sdelay $0x1  }
0x11: {  	s20 =	simm.s32 $_scs_section_size  }
0x12: {  	s4 =	simm.s32 $_size__tile_overlayer_lowered;
	s5 =	simm.s32 $_tile_overlayer_lowered  }
0x13: {  	s23 =	simm.s32 $0x1BFF;
	s22 =	sshll.u32 s5, $0x1;
	s1 =	sadd.s32 s20, s19  }
0x14: {  	s6 =	simm.s32 $0x0;
	s21 =	sshll.u32 s4, $0x1;
	s4 =	sadd.s32 s22, s1  }
0x15: {  	[timem:s6], [sflag:s23] =	dma.local [hbm:s4], s21  }
0x16: {  	_ =	swait.ge [sflag:s23], s21  }
0x17: {  	s2 =	ssub.s32 $0x0, s21;
	[sflag:s23] =	ssyncset.done $0x0  }
0x18: {  	[sflag:s23] =	ssyncadd.s32 s2;
	_ =	sdelay $0x1  }
0x19: {  	s24 =	simm.s32 $0x1B8B  }
0x1a: {  	_ =	swait.ge [sflag:s24], $0x1  }
0x1b: {  	[sflag:s24] =	ssyncset.done $0x0  }
0x1c: {  	s26 =	simm.s32 $0x1B8E;
	s25 =	sld [smem:$0x3FFE];
	[sflag:s24] =	ssyncadd.s32 $0xFFFFFFFF  }
0x1d: {  	s27 =	simm.s32 $execute0_lowered;
	[smem:$0x3FD2] =	sst s26  }
0x1e: {  	s4 =	sshll.u32 s27, $0x1;
	_ =	strace $0x8000004C;
	[dreg:$0x1] =	wrdreg $0xFFFFFFFF  }
0x1f: {  	s28 =	simm.s32 $_size_execute0_lowered;
	s1 =	sadd.s32 s1, s4;
	[dreg:$0x0] =	wrdreg $0x0  }
0x20: {  	s4 =	sshll.u32 s28, $0x1;
	[dreg:$0x2] =	wrdreg s1  }
0x21: {  	[dreg:$0x3] =	wrdreg s4  }
0x22: {  	[dreg:$0x4] =	wrdreg $0xC0  }
0x23: {  	_ =	task [dreg:s6], $0x5FFFF  }
0x24: {  	[dreg:$0x1] =	wrdreg $0xFFFFFFFF  }
0x25: {  	[dreg:$0x0] =	wrdreg $0x60  }
0x26: {  	[dreg:$0x2] =	wrdreg s25  }
0x27: {  	[dreg:$0x3] =	wrdreg $0x9  }
0x28: {  	_ =	task.clear_ibuf [dreg:s6], $0x4FFFF;
	_ =	strace $0x9000004C  }
0x29: {  	s29 =	simm.s32 $0x9;
	_ =	strace $0x8000004E  }
0x2a: {  	_ =	swait.ge [sflag:s29], $0x1  }
0x2b: {  	[sflag:s29] =	ssyncadd.s32 $0xFFFFFFFF  }
0x2c: {  	_ =	strace $0x9000004E  }
0x2d: {  	_ =	sfence  }
0x2e: {  	s30 =	sld [smem:$0x0];
	_ =	sdelay $0x2  }
0x2f: {  	s31 =	sshll.u32 s3, $0xD;
	s3 =	sshrl.u32 s3, $0x2  }
0x30: {  	s2 =	sand.u32 $0x4000, s31;
	s1 =	sadd.s32 s3, s30  }
0x31: {  	s0 =	sor.u32 s2, s0;
	s1 =	sshll.u32 s1, $0x11  }
0x32: {  	s0 =	sor.u32 s1, s0  }
0x33: {  	s0 =	sadd.s32 $0x8F2B, s0  }
0x34: {  	[sflag:s0] =	ssyncadd.remote.s32 $0x1  }
0x35: {  	_ =	sfence.sel $0xFFFF  }
0x36: {  	[dreg:$0x0] =	wrdreg $0xFFFFFFFF;
	(pc) =	sbr.abs _section_cstart, $3  }
0x37: {  	[dreg:$0x1] =	wrdreg $0xFFFFFFFF  }
0x38: {  	_ =	task.clear_ibuf [dreg:s6], $0x2FFFF;
	_ =	strace $0x9FFFFFFF  }
0x39: {  	(tm) =	ssettm $0x7FFFFFFF  }
tec
execute0_lowered:
.L_overlay_start_1:
0x0: {  	(tag) =	ssettag $0x1  }
0x1: {  	s0 =	stileid.u32  }
0x2: {  	s1 =	srdreg.scid;
	s6 =	rddreg [dreg:$0x0]  }
0x3: {  	s5 =	simm.s32 $0x1;
	s2 =	sshll.u32 s0, $0x2;
	s1 =	sshll.u32 s1, $0x6  }
0x4: {  	s8 =	simm.s32 $0x2;
	s16 =	simm.s32 $0x0;
	s1 =	sor.u32 s2, s1  }
0x5: {  	s9 =	simm.s32 $0x1000;
	s10 =	simm.s32 $0x20000;
	s2 =	sand.u32 $0x60, s1  }
0x6: {  	s11 =	simm.s32 $0x0;
	s17 =	simm.s32 $0x0;
	s3 =	ssub.s32 $0x400, s2  }
0x7: {  	s18 =	simm.s32 $0x0;
	s12 =	simm.s32 $0x0;
	s4 =	sand.u32 $0x60, s3  }
0x8: {  	s15 =	simm.s32 $0x0;
	s1 =	rddreg [dreg:$0x1];
	p0 =	sne.s32 s4, $0x0  }
.Ltmp0:
0x9: {  	s7 =	sshrl.u32 s3, $0x7;
	s5 =	simm.s32 @!p0 $0x0;
	(pc) =	sbr.rel .LBB1_1-.Ltmp0, $4  }
0xa: {  	_ =	strace $0x8000004D;
	s13 =	smov.u32 s2;
	s5 =	sadd.s32 s5, s7  }
0xb: {  	s3 =	sadd.s32 $0x3E0000, s6;
	s4 =	simm.s32 $0x1;
	s5 =	smul.u32 $0x5, s5  }
0xc: {  	s6 =	sadd.s32 $0x160000, s6;
	[sflag:s4] =	ssyncpa.u1 $0x0;
	s7 =	sand.u32 $0x7, s0  }
0xd: {  	[sflag:s8] =	ssyncpa.u1 $0x0;
	s14 =	smov.u32 s7;
	s8 =	sadd.s32 $0x1, s5  }
.LBB1_7:
0xe: {  	s19 =	sadd.s32 $0x4, s12  }
0xf: {  	s16 =	sadd.s32 $0x80, s13;
	s20 =	smov.u32 s13;
	p1 =	sgt.s32 s19, $0x13  }
0x10: {  	s20 =	smov.u32 @p1 s16  }
0x11: {  	s22 =	smov.u32 s14;
	s16 =	sadd.s32 $0x8, s14;
	p2 =	sgt.s32 s20, $0x3FF  }
0x12: {  	s22 =	smov.u32 @p2 s16  }
0x13: {  	s19 =	simm.s32 @p1 $0x0;
	p1 =	sgt.s32 s22, $0x7  }
0x14: {  	p0 =	slt.u32 s15, $0x2;
	s22 =	smov.u32 @p1 s7;
	p1 =	sne.s32 s15, s8  }
.Ltmp1:
0x15: {  	s21 =	simm.s32 @!p0 $0x2;
	(pc) =	sbr.rel @!p1 .LBB1_8-.Ltmp1, $4  }
0x16: {  	s17 =	smov.u32 s13;
	s18 =	smov.u32 s14;
	_ =	swait.ge @!p0 [sflag:s21], $0x4000  }
0x17: {  	s11 =	sadd.s32 $0x4000, s11;
	[sflag:s21] =	ssyncset.done @!p0 $0x0;
	s20 =	smov.u32 @p2 s2  }
0x18: {  	s16 =	smov.u32 s12;
	[sflag:s21] =	ssyncadd.s32 @!p0 $0xFFFFC000;
	s12 =	smov.u32 s19  }
0x19: {  	s13 =	smov.u32 s20;
	s15 =	sadd.s32 $0x1, s15;
	s14 =	smov.u32 s22  }
.LBB1_1:
0x1a: {  	p0 =	sge.u32 s15, s5  }
0x1b: {  	s19 =	sand.u32 @!p0 $0x1FFFFFF, s12;
	s21 =	smul.u32 @!p0 $0x60000, s14  }
0x1c: {  	s20 =	smulhi.u32 @!p0 $0xAAAAAAB, s19  }
0x1d: {  	s23 =	smul.u32 @!p0 $0x180, s13  }
0x1e: {  	s20 =	smul.u32 @!p0 $0x18, s20  }
0x1f: {  	s31 =	sadd.s32 $0xFFFFFFFF, s15;
	s21 =	sadd.s32 @!p0 s3, s21  }
0x20: {  	s22 =	sxor.u32 @!p0 $0xFFFFFFFF, s15;
	s21 =	sadd.s32 @!p0 s23, s21;
	s19 =	ssub.s32 @!p0 s19, s20  }
0x21: {  	s20 =	sshll.u32 @!p0 s22, $0xE;
	s22 =	simm.s32 @!p0 $0xC00;
	s19 =	sshll.u32 @!p0 s19, $0x4  }
0x22: {  	s20 =	sand.u32 @!p0 $0x4000, s20;
	s19 =	sadd.s32 @!p0 s19, s21;
	s21 =	simm.s32 @!p0 $0x200  }
0x23: {  	[tilespmem:s20], [sflag:$0x1] =	stream.strided.gather @!p0 [hbm4b:s19+s21], $0x4000, s22, s21, $0x38;
	[tilespmem:$0x10000] =	vst v63  }
0x24: {  	p0 =	sge.u32 s31, s5  }
.Ltmp2:
0x25: {  	_ = 	snop;
	(pc) =	sbr.rel @p0 .LBB1_7-.Ltmp2, $1  }
0x26: {  	_ =	sdelay $0x3  }
0x27: {  	s19 =	sand.u32 $0x4000, s11  }
0x28: {  	_ =	swait.ge [sflag:s4], $0x4000;
	s22 =	sshll.u32 s15, $0xE;
	s20 =	sor.u32 $0x8040, s19  }
0x29: {  	s21 =	sor.u32 $0x40, s19;
	[sflag:s4] =	ssyncset.done $0x0;
	s31 =	sand.u32 $0x4000, s22  }
0x2a: {  	s22 =	simm.s32 $0x0;
	[sflag:s4] =	ssyncadd.s32 $0xFFFFC000;
	s19 =	sor.u32 $0x8000, s31  }
.LBB1_3:
0x2b: {  	v0 =	vmov s21;
	_ =	sdelay $0x3  }
0x2c: {  	s24 =	simm.s32 $0x0  }
0x2d: {  	v6 =	vld.idx.msk [tilespmem:v0+s24+$0x30 ss:$0x1], $0xffff  }
0x2e: {  	v7 =	vld.idx.msk [tilespmem:v0+s24+$0xFFFFFFC0 ss:$0x1], $0xffff  }
0x2f: {  	v5 =	vld.idx.msk [tilespmem:v0+s24+$0xFFFFFFD0 ss:$0x1], $0xffff  }
0x30: {  	v4 =	vld.idx.msk [tilespmem:v0+s24+$0xFFFFFFE0 ss:$0x1], $0xffff  }
0x31: {  	v3 =	vld.idx.msk [tilespmem:v0+s24+$0xFFFFFFF0 ss:$0x1], $0xffff  }
0x32: {  	v1 =	vld.idx.msk [tilespmem:v0+s24+$0x0 ss:$0x1], $0xffff  }
0x33: {  	v2 =	vld.idx.msk [tilespmem:v0+s24+$0x10 ss:$0x1], $0xffff;
	[tilespmem:s20+$0x30] =	vst v6  }
0x34: {  	s23 =	simm.s32 $0x80;
	s25 =	simm.s32 $0x400;
	[tilespmem:s20+$0xFFFFFFC0] =	vst v7;
	v6 =	vld.idx.msk [tilespmem:v0+s24+$0x20 ss:$0x1], $0xffff;
	s24 =	smov.u32 s20  }
.LBB1_4:
0x35: {  	p0 =	sne.s32 s25, $0x600;
	v7 =	vld.idx.msk [tilespmem:v0+s23+$0x30 ss:$0x1], $0xffff;
	[tilespmem:s24+$0xFFFFFFD0] =	vst v5  }
0x36: {  	v8 =	vld.idx.msk [tilespmem:v0+s23+$0xFFFFFFC0 ss:$0x1], $0xffff;
	[tilespmem:s24+$0xFFFFFFE0] =	vst v4  }
0x37: {  	v5 =	vld.idx.msk [tilespmem:v0+s23+$0xFFFFFFD0 ss:$0x1], $0xffff;
	[tilespmem:s24+$0xFFFFFFF0] =	vst v3  }
.Ltmp3:
0x38: {  	v4 =	vld.idx.msk [tilespmem:v0+s23+$0xFFFFFFE0 ss:$0x1], $0xffff;
	[tilespmem:s24+$0x0] =	vst v1;
	(pc) =	sbr.rel @p0 .LBB1_4-.Ltmp3, $4  }
0x39: {  	v3 =	vld.idx.msk [tilespmem:v0+s23+$0xFFFFFFF0 ss:$0x1], $0xffff;
	[tilespmem:s24+$0x10] =	vst v2  }
0x3a: {  	v1 =	vld.idx.msk [tilespmem:v0+s23+$0x0 ss:$0x1], $0xffff;
	[tilespmem:s24+$0x20] =	vst v6;
	s24 =	sadd.s32 $0x1000, s24  }
0x3b: {  	v2 =	vld.idx.msk [tilespmem:v0+s23+$0x10 ss:$0x1], $0xffff;
	[tilespmem:s24+$0x30] =	vst v7  }
0x3c: {  	[tilespmem:s24+$0xFFFFFFC0] =	vst v8;
	v6 =	vld.idx.msk [tilespmem:v0+s23+$0x20 ss:$0x1], $0xffff;
	s23 =	sshra.s32 s25, $0x2;
	s25 =	sadd.s32 $0x200, s25  }
0x3d: {  	_ =	sdelay $0x2  }
0x3e: {  	[tilespmem:s24+$0xFFFFFFD0] =	vst v5  }
0x3f: {  	v56 =	vld.idx.msk [tilespmem:v0+s23+$0x30 ss:$0x1], $0xffff;
	[tilespmem:s24+$0xFFFFFFE0] =	vst v4  }
0x40: {  	v57 =	vld.idx.msk [tilespmem:v0+s23+$0xFFFFFFC0 ss:$0x1], $0xffff;
	[tilespmem:s24+$0xFFFFFFF0] =	vst v3  }
0x41: {  	v58 =	vld.idx.msk [tilespmem:v0+s23+$0xFFFFFFD0 ss:$0x1], $0xffff;
	[tilespmem:s24+$0x0] =	vst v1  }
0x42: {  	v59 =	vld.idx.msk [tilespmem:v0+s23+$0xFFFFFFE0 ss:$0x1], $0xffff;
	[tilespmem:s24+$0x10] =	vst v2  }
0x43: {  	v60 =	vld.idx.msk [tilespmem:v0+s23+$0xFFFFFFF0 ss:$0x1], $0xffff;
	s31 =	sadd.s32 $0x1000, s24;
	[tilespmem:s24+$0x20] =	vst v6  }
0x44: {  	v61 =	vld.idx.msk [tilespmem:v0+s23+$0x0 ss:$0x1], $0xffff;
	[tilespmem:s31+$0x30] =	vst v56  }
0x45: {  	v62 =	vld.idx.msk [tilespmem:v0+s23+$0x10 ss:$0x1], $0xffff;
	s22 =	sadd.s32 $0x1, s22;
	[tilespmem:s31+$0xFFFFFFC0] =	vst v57  }
0x46: {  	v63 =	vld.idx.msk [tilespmem:v0+s23+$0x20 ss:$0x1], $0xffff;
	p0 =	sne.s32 s22, $0x20;
	[tilespmem:s31+$0xFFFFFFD0] =	vst v58  }
.Ltmp4:
0x47: {  	[tilespmem:s31+$0xFFFFFFE0] =	vst v59;
	(pc) =	sbr.rel @p0 .LBB1_3-.Ltmp4, $4  }
0x48: {  	[tilespmem:s31+$0xFFFFFFF0] =	vst v60  }
0x49: {  	[tilespmem:s31+$0x0] =	vst v61  }
0x4a: {  	[tilespmem:s31+$0x10] =	vst v62  }
0x4b: {  	s20 =	sadd.s32 $0x80, s20;
	s21 =	sadd.s32 $0x200, s21;
	[tilespmem:s31+$0x20] =	vst v63  }
0x4c: {  	s18 =	smul.u32 $0x50000, s18  }
.Ltmp5:
0x4d: {  	_ = 	snop;
	(pc) =	sbr.rel .LBB1_7-.Ltmp5, $4  }
0x4e: {  	s16 =	sshll.u32 s16, $0xE;
	s17 =	sshll.u32 s17, $0x4;
	s18 =	sadd.s32 s6, s18  }
0x4f: {  	s17 =	sand.u32 $0x3FF0, s17;
	s16 =	sadd.s32 s16, s18  }
0x50: {  	s16 =	sadd.s32 s17, s16  }
0x51: {  	[hbm4b:s16+s9] =	stream.strided.scatter [tilespmem:s19], [sflag:$0x2], $0x4000, s10, s9, $0x38;
	[tilespmem:$0x10000] =	vst v63  }
.LBB1_8:
0x52: {  	_ =	sfence.sel $0x180000  }
0x53: {  	s2 =	simm.s32 $0x1;
	[bflag:$0x0] =	sbarrier.arrive $0xFFFF  }
0x54: {  	s31 =	simm.s32 $0x2;
	[sflag:s2] =	ssyncpa.u1 $0x1  }
0x55: {  	[sflag:s31] =	ssyncpa.u1 $0x1  }
0x56: {  	p0 =	sne.s32 s0, $0x0;
	_ =	strace $0x9000004D  }
0x57: {  	s0 =	sadd.s32 @!p0 $0x100000, s1;
	[bflag:$0x2] =	sbarrier.arrive $0xFFFF  }
0x58: {  	[sflag:s0] =	ssyncadd.tile.s32 @!p0 $0x1;
	_ =	shalt  }
.Lfunc_end1:
_tile_overlayer_lowered:
.L_overlay_start_2:
0x59: {  	(tag) =	ssettag $0x2  }
0x5a: {  	s0 =	rddreg [dreg:$0x0];
	s2 =	stileid.u32  }
0x5b: {  	s1 =	rddreg [dreg:$0x1];
	p0 =	sne.s32 s2, $0x0  }
0x5c: {  	s3 =	rddreg [dreg:$0x2];
	[bflag:$0x3] =	sbarrier.arrive $0xFFFF;
	s2 =	simm.s32 @!p0 $0x1C01  }
0x5d: {  	[timem:s3], [sflag:s2] =	dma.local @!p0 [hbm:s0], s1  }
0x5e: {  	s0 =	simm.s32 @!p0 $0x1  }
0x5f: {  	_ =	swait.ge @!p0 [sflag:s0], s1  }
0x60: {  	s1 =	ssub.s32 @!p0 $0x0, s1;
	[sflag:s0] =	ssyncset.done @!p0 $0x0  }
0x61: {  	[sflag:s0] =	ssyncadd.s32 @!p0 s1  }
0x62: {  	[bflag:$0x3] =	sbarrier.arrive $0xFFFF  }
0x63: {  	_ =	shalt  }

</sc_bundles>
